<compile_context>
chip_gen: v7x
topology: tpu7x:2x2x1
jax: 0.10.2.dev20260603
libtpu: 0.0.44.dev20260713+nightly
codegen_flags: <defaults>
</compile_context>

<pallas_src>
import functools

import jax
import jax.numpy as jnp
from jax import lax
from jax.experimental import pallas as pl
from jax.experimental.pallas import tpu as pltpu
from jax.experimental.pallas import tpu_sc as plsc

_N = 10000
_E = 320000
_S = 128
_DE = 16
_NA = 10240
_E2 = 327680
_NW = 32
_EPW = _E // _NW
_RPT = _NA // 16

_mesh = plsc.VectorSubcoreMesh(core_axis_name="c", subcore_axis_name="s")


@functools.partial(
    pl.kernel,
    out_type=jax.ShapeDtypeStruct((_NW, _NA), jnp.float32),
    mesh=_mesh,
    compiler_params=pltpu.CompilerParams(needs_layout_passes=False),
    scratch_types=[
        pltpu.VMEM((_NA,), jnp.float32),
        pltpu.VMEM((_EPW,), jnp.int32),
    ],
)
def _sc_hist(ei_hbm, out_hbm, hist_v, didx_v):
    c = lax.axis_index("c")
    s = lax.axis_index("s")
    w = c * 16 + s

    zero16 = jnp.zeros((16,), jnp.float32)

    def _zero(i, _):
        hist_v[pl.ds(i * 16, 16)] = zero16
        return ()

    lax.fori_loop(0, _NA // 16, _zero, (), unroll=4)

    pltpu.sync_copy(ei_hbm.at[pl.ds(_E + w * _EPW, _EPW)], didx_v)

    def _acc(i, _):
        idx = didx_v[pl.ds(i * 16, 16)]
        cnt, last = plsc.scan_count(idx)
        plsc.addupdate_scatter(hist_v, [idx], cnt.astype(jnp.float32), mask=last)
        return ()

    lax.fori_loop(0, _EPW // 16, _acc, (), unroll=4)

    pltpu.sync_copy(hist_v, out_hbm.at[w])


def _tc_node_body(x_ref, hist_ref, wne_ref, bne_ref, y_ref, dis_ref):
    i = pl.program_id(0)
    nb = y_ref.shape[0]
    deg = jnp.sum(hist_ref[:, pl.ds(i * nb, nb)], axis=0) + 1.0
    dis = lax.rsqrt(deg)[:, None]
    xe = jnp.maximum(x_ref[...] @ wne_ref[...] + bne_ref[...], 0.0)
    y_ref[...] = xe * dis
    dis_ref[...] = dis


def _tc_node(x, hist, wne, bne):
    g = 10
    nb = _NA // g
    return pl.pallas_call(
        _tc_node_body,
        grid=(g,),
        in_specs=[
            pl.BlockSpec((nb, _S), lambda i: (i, 0)),
            pl.BlockSpec((_NW, _NA), lambda i: (0, 0)),
            pl.BlockSpec((_S, _S), lambda i: (0, 0)),
            pl.BlockSpec((1, _S), lambda i: (0, 0)),
        ],
        out_specs=[
            pl.BlockSpec((nb, _S), lambda i: (i, 0)),
            pl.BlockSpec((nb, 1), lambda i: (i, 0)),
        ],
        out_shape=[
            jax.ShapeDtypeStruct((_NA, _S), jnp.float32),
            jax.ShapeDtypeStruct((_NA, 1), jnp.float32),
        ],
    )(x, hist, wne, bne)


def _tc_edge_body(ea_ref, wee_ref, bee_ref, w3_ref, bout_ref, r_ref):
    ee = jnp.maximum(ea_ref[...] @ wee_ref[...] + bee_ref[...], 0.0)
    r_ref[...] = jnp.sum(ee * w3_ref[...], axis=1) + bout_ref[0, 0]


def _tc_edge(ea, wee, bee, w3, bout):
    g = 20
    eb = _E2 // g
    return pl.pallas_call(
        _tc_edge_body,
        grid=(g,),
        in_specs=[
            pl.BlockSpec((eb, _DE), lambda i: (i, 0)),
            pl.BlockSpec((_DE, _S), lambda i: (0, 0)),
            pl.BlockSpec((1, _S), lambda i: (0, 0)),
            pl.BlockSpec((1, _S), lambda i: (0, 0)),
            pl.BlockSpec((1, 1), lambda i: (0, 0)),
        ],
        out_specs=pl.BlockSpec((eb,), lambda i: (i,)),
        out_shape=jax.ShapeDtypeStruct((_E2,), jnp.float32),
    )(ea, wee, bee, w3, bout)


_NAS = 10112
_RPT2 = _NAS // 16
_B = 80
_NB = _EPW // _B


@functools.partial(
    pl.kernel,
    out_type=jax.ShapeDtypeStruct((2, _NAS, _S), jnp.float32),
    mesh=_mesh,
    compiler_params=pltpu.CompilerParams(needs_layout_passes=False),
    scratch_types=[
        pltpu.VMEM_SHARED((_NAS, _S), jnp.float32),
        pltpu.VMEM((_EPW,), jnp.int32),
        pltpu.VMEM((_EPW,), jnp.int32),
        pltpu.VMEM((_B, _S), jnp.float32),
        pltpu.VMEM((_B, _S), jnp.float32),
        pltpu.SemaphoreType.DMA,
        pltpu.SemaphoreType.DMA,
        pltpu.SemaphoreType.DMA,
        pltpu.SemaphoreType.DMA,
    ],
)
def _sc_segsum(ei_hbm, y_hbm, zeros_hbm, acc_hbm,
               acc_sh, sidx_v, didx_v, ra, rb, gsa, gsb, ssa, ssb):
    c = lax.axis_index("c")
    s = lax.axis_index("s")
    w = c * 16 + s
    base = w * _EPW

    pltpu.sync_copy(zeros_hbm, acc_sh.at[pl.ds(s * _RPT2, _RPT2)])
    pltpu.sync_copy(ei_hbm.at[pl.ds(base, _EPW)], sidx_v)
    pltpu.sync_copy(ei_hbm.at[pl.ds(_E + base, _EPW)], didx_v)
    plsc.subcore_barrier()

    idx0 = didx_v.at[pl.ds(0, _B)]
    pltpu.async_copy(y_hbm.at[sidx_v.at[pl.ds(0, _B)]], ra, gsa)

    def _edge_batch(i, _):
        even = lax.rem(i, 2) == 0
        ni = i + 1

        @pl.when(ni < _NB)
        def _():
            @pl.when(even)
            def _():
                @pl.when(i >= 1)
                def _():
                    pltpu.make_async_copy(rb, acc_sh.at[idx0], ssb).wait()
                pltpu.async_copy(y_hbm.at[sidx_v.at[pl.ds(ni * _B, _B)]],
                                 rb, gsb)

            @pl.when(jnp.logical_not(even))
            def _():
                pltpu.make_async_copy(ra, acc_sh.at[idx0], ssa).wait()
                pltpu.async_copy(y_hbm.at[sidx_v.at[pl.ds(ni * _B, _B)]],
                                 ra, gsa)

        @pl.when(even)
        def _():
            pltpu.make_async_copy(y_hbm.at[sidx_v.at[pl.ds(0, _B)]],
                                  ra, gsa).wait()
            pltpu.async_copy(ra, acc_sh.at[didx_v.at[pl.ds(i * _B, _B)]],
                             ssa, add=True)

        @pl.when(jnp.logical_not(even))
        def _():
            pltpu.make_async_copy(y_hbm.at[sidx_v.at[pl.ds(0, _B)]],
                                  rb, gsb).wait()
            pltpu.async_copy(rb, acc_sh.at[didx_v.at[pl.ds(i * _B, _B)]],
                             ssb, add=True)

        return ()

    lax.fori_loop(0, _NB, _edge_batch, ())

    pltpu.make_async_copy(ra, acc_sh.at[idx0], ssa).wait()
    pltpu.make_async_copy(rb, acc_sh.at[idx0], ssb).wait()

    plsc.subcore_barrier()

    pltpu.sync_copy(acc_sh.at[pl.ds(s * _RPT2, _RPT2)],
                    acc_hbm.at[c].at[pl.ds(s * _RPT2, _RPT2)])


def _tc_gates_body(acc_ref, y_ref, dis_ref, wz_ref, bz_ref, lz_ref,
                   lbz_ref, wh_ref, bh_ref, lh_ref, lbh_ref, wout_ref,
                   p_ref, q_ref):
    agg = (acc_ref[0] + acc_ref[1] + y_ref[...]) * dis_ref[...]
    lz0 = lz_ref[0:_S, :]
    az = wz_ref[...] @ lz0
    cz = bz_ref[...] @ lz0 + lbz_ref[...]
    zg = jax.nn.sigmoid(agg @ az + cz)
    lh0 = lh_ref[0:_S, :]
    ah = wh_ref[...] @ lh0
    ch = bh_ref[...] @ lh0 + lbh_ref[...]
    ht = jnp.tanh(agg @ ah + ch)
    h = (1.0 - zg) * ht
    p_ref[...] = h @ wout_ref[0:_S, :]
    q_ref[...] = h @ wout_ref[_S:2 * _S, :]


def _tc_gates(acc, y, dis, wz, bz, lz, lbz, wh, bh, lh, lbh, wout):
    g = 5
    nb = _NA // g
    full = lambda a, b: pl.BlockSpec((a, b), lambda i: (0, 0))
    return pl.pallas_call(
        _tc_gates_body,
        grid=(g,),
        in_specs=[
            pl.BlockSpec((2, nb, _S), lambda i: (0, i, 0)),
            pl.BlockSpec((nb, _S), lambda i: (i, 0)),
            pl.BlockSpec((nb, 1), lambda i: (i, 0)),
            full(_S, _S), full(1, _S), full(2 * _S, _S), full(1, _S),
            full(_S, _S), full(1, _S), full(2 * _S, _S), full(1, _S),
            full(3 * _S, 1),
        ],
        out_specs=[
            pl.BlockSpec((nb, 1), lambda i: (i, 0)),
            pl.BlockSpec((nb, 1), lambda i: (i, 0)),
        ],
        out_shape=[
            jax.ShapeDtypeStruct((_NA, 1), jnp.float32),
            jax.ShapeDtypeStruct((_NA, 1), jnp.float32),
        ],
    )(acc, y, dis, wz, bz, lz, lbz, wh, bh, lh, lbh, wout)


@functools.partial(
    pl.kernel,
    out_type=jax.ShapeDtypeStruct((_E,), jnp.float32),
    mesh=_mesh,
    compiler_params=pltpu.CompilerParams(needs_layout_passes=False),
    scratch_types=[
        pltpu.VMEM((_NA,), jnp.float32),
        pltpu.VMEM((_NA,), jnp.float32),
        pltpu.VMEM((_EPW,), jnp.int32),
        pltpu.VMEM((_EPW,), jnp.int32),
        pltpu.VMEM((_EPW,), jnp.float32),
        pltpu.VMEM((_EPW,), jnp.float32),
    ],
)
def _sc_edge_out(ei_hbm, p_hbm, q_hbm, r_hbm, out_hbm,
                 p_v, q_v, sidx_v, didx_v, r_v, o_v):
    c = lax.axis_index("c")
    s = lax.axis_index("s")
    w = c * 16 + s
    base = w * _EPW

    pltpu.sync_copy(p_hbm, p_v)
    pltpu.sync_copy(q_hbm, q_v)
    pltpu.sync_copy(ei_hbm.at[pl.ds(base, _EPW)], sidx_v)
    pltpu.sync_copy(ei_hbm.at[pl.ds(_E + base, _EPW)], didx_v)
    pltpu.sync_copy(r_hbm.at[pl.ds(base, _EPW)], r_v)

    def _chunk(i, _):
        o = pl.ds(i * 16, 16)
        pv = plsc.load_gather(p_v, [sidx_v[o]])
        qv = plsc.load_gather(q_v, [didx_v[o]])
        o_v[o] = pv + qv + r_v[o]
        return ()

    lax.fori_loop(0, _EPW // 16, _chunk, (), unroll=4)

    pltpu.sync_copy(o_v, out_hbm.at[pl.ds(base, _EPW)])


def kernel(x, edge_index, edge_attr, W_ne, b_ne, W_ee, b_ee, Wz, bz, Lz, lbz,
           Wr, br, Lr, lbr, Wh, bh, Lh, lbh, W_out, b_out):
    ei = edge_index.astype(jnp.int32).reshape(2 * _E)

    hist = _sc_hist(ei)

    y, dis = _tc_node(x, hist, W_ne, b_ne.reshape(1, _S))
    r = _tc_edge(edge_attr, W_ee, b_ee.reshape(1, _S),
                 W_out[2 * _S:, :].reshape(1, _S), b_out.reshape(1, 1))

    zeros_tile = jnp.zeros((_RPT2, _S), jnp.float32)
    acc = _sc_segsum(ei, y, zeros_tile)

    p, q = _tc_gates(
        acc, y, dis,
        Wz, bz.reshape(1, _S), Lz, lbz.reshape(1, _S),
        Wh, bh.reshape(1, _S), Lh, lbh.reshape(1, _S),
        W_out,
    )

    out = _sc_edge_out(ei, p.reshape(_NA), q.reshape(_NA), r)
    return out.reshape(_E, 1)

# --- scband reference (transcript-rebuilt; emitter-appended) ---
"""Pipeline reference for scband-temporal-gcn-65635690218230 (READ-ONLY COPY).

The authoritative reference and input builder live on the scoring server;
editing this copy changes nothing except your own understanding.
"""

import jax, jax.numpy as jnp
import numpy as np

N = 10000
E = 320000
D_NODE = 128
D_EDGE = 16
SIZE = 128

def _glorot(k, shape):
    lim = float(np.sqrt(6.0 / (shape[0] + shape[1])))
    return jax.random.uniform(k, shape, minval=-lim, maxval=lim, dtype=jnp.float32)

def setup_inputs(seed: int = 0):
    key = jax.random.key(seed)
    ks = jax.random.split(key, 16)
    inp = {}
    inp["x"] = jax.random.normal(ks[0], (N, D_NODE), dtype=jnp.float32)
    inp["edge_index"] = jax.random.randint(ks[1], (2, E), 0, N)
    inp["edge_attr"] = jax.random.normal(ks[2], (E, D_EDGE), dtype=jnp.float32)
    inp["W_ne"] = _glorot(ks[3], (D_NODE, SIZE)); inp["b_ne"] = jnp.zeros((SIZE,), jnp.float32)
    inp["W_ee"] = _glorot(ks[4], (D_EDGE, SIZE)); inp["b_ee"] = jnp.zeros((SIZE,), jnp.float32)
    inp["Wz"] = _glorot(ks[5], (SIZE, SIZE)); inp["bz"] = jnp.zeros((SIZE,), jnp.float32)
    inp["Lz"] = _glorot(ks[6], (2 * SIZE, SIZE)); inp["lbz"] = jnp.zeros((SIZE,), jnp.float32)
    inp["Wr"] = _glorot(ks[7], (SIZE, SIZE)); inp["br"] = jnp.zeros((SIZE,), jnp.float32)
    inp["Lr"] = _glorot(ks[8], (2 * SIZE, SIZE)); inp["lbr"] = jnp.zeros((SIZE,), jnp.float32)
    inp["Wh"] = _glorot(ks[9], (SIZE, SIZE)); inp["bh"] = jnp.zeros((SIZE,), jnp.float32)
    inp["Lh"] = _glorot(ks[10], (2 * SIZE, SIZE)); inp["lbh"] = jnp.zeros((SIZE,), jnp.float32)
    inp["W_out"] = _glorot(ks[11], (3 * SIZE, 1)); inp["b_out"] = jnp.zeros((1,), jnp.float32)
    return inp

def _gcn_conv(x, src, dst, W, b, n):
    # PyG GCNConv: add self-loops, symmetric normalization, aggregate at dst (col)
    xw = x @ W
    loop = jnp.arange(n, dtype=src.dtype)
    s = jnp.concatenate([src, loop])
    d = jnp.concatenate([dst, loop])
    ew = jnp.ones((s.shape[0],), dtype=x.dtype)
    deg = jax.ops.segment_sum(ew, d, num_segments=n)
    dis = jnp.where(deg > 0, deg ** -0.5, 0.0)
    norm = dis[s] * ew * dis[d]
    out = jax.ops.segment_sum(xw[s] * norm[:, None], d, num_segments=n)
    return out + b

def reference(x, edge_index, edge_attr, W_ne, b_ne, W_ee, b_ee, Wz, bz, Lz, lbz, Wr, br, Lr, lbr, Wh, bh, Lh, lbh, W_out, b_out):
    n = x.shape[0]
    src = edge_index[0]
    dst = edge_index[1]
    xe = jax.nn.relu(x @ W_ne + b_ne)
    ee = jax.nn.relu(edge_attr @ W_ee + b_ee)
    H = jnp.zeros((n, SIZE), dtype=x.dtype)
    # TGCN (GRU cell with GCNConv gates), H0 = zeros
    Z = jax.nn.sigmoid(jnp.concatenate([_gcn_conv(xe, src, dst, Wz, bz, n), H], axis=1) @ Lz + lbz)
    R = jax.nn.sigmoid(jnp.concatenate([_gcn_conv(xe, src, dst, Wr, br, n), H], axis=1) @ Lr + lbr)
    Ht = jnp.tanh(jnp.concatenate([_gcn_conv(xe, src, dst, Wh, bh, n), H * R], axis=1) @ Lh + lbh)
    h = Z * H + (1.0 - Z) * Ht
    edge_h = jnp.concatenate([h[src], h[dst]], axis=1)
    comb = jnp.concatenate([edge_h, ee], axis=1)
    return comb @ W_out + b_out

if __name__ == "__main__":
    import jax
    _d = setup_inputs()
    print(jax.jit(kernel)(*tuple(_d.values())))

</pallas_src>

<mosaic_0001>
#map = affine_map<(d0, d1) -> (0)>
#map1 = affine_map<(d0, d1) -> (0, 0)>
module attributes {stable_mosaic.version = 14 : i64} {
  func.func @_sc_hist(%arg0: i32, %arg1: i32, %arg2: memref<640000xi32, #tpu.memory_space<hbm>>, %arg3: memref<32x10240xf32, #tpu.memory_space<hbm>>, %arg4: memref<10240xf32, #tpu.memory_space<vmem>>, %arg5: memref<10000xi32, #tpu.memory_space<vmem>>) attributes {dimension_semantics = [#tpu.dimension_semantics<core_parallel>, #tpu.dimension_semantics<subcore_parallel>], iteration_bounds = array<i64: 2, 16>, scalar_prefetch = 0 : i64, scratch_operands = 2 : i64, tpu.core_type = #tpu.core_type<sc_vector_subcore>, window_params = [{transform_indices = #map}, {transform_indices = #map1}]} {
    %mul3A = arith.constant 16 : i32
    %mul3A_0 = arith.muli %arg0, %mul3A : i32
    %add3A = arith.addi %mul3A_0, %arg1 : i32
    %broadcast_in_dim3A = arith.constant 0.000000e+00 : f32
    %broadcast_in_dim3A_1 = vector.broadcast %broadcast_in_dim3A : f32 to vector<16xf32>
    %scan3A = arith.constant 0 : i32
    %scan3A_2 = arith.constant 640 : i32
    %scan3A_3 = arith.addi %scan3A, %scan3A_2 : i32
    %scan3A_4 = arith.constant 4 : i32
    scf.for %scan3A_23 = %scan3A to %scan3A_3 step %scan3A_4  : i32 {
      %mul3A_24 = arith.constant 16 : i32
      %mul3A_25 = arith.muli %scan3A_23, %mul3A_24 : i32
      %swap3A = arith.index_cast %mul3A_25 : i32 to index
      %swap3A_26 = tpu.vector_load %arg4[%swap3A] {strides = array<i32>} : memref<10240xf32, #tpu.memory_space<vmem>>, vector<16xf32>,
      tpu.vector_store %arg4[%swap3A], %broadcast_in_dim3A_1 {strides = array<i32>} : memref<10240xf32, #tpu.memory_space<vmem>>, vector<16xf32>,
      %scan3A_27 = arith.constant 1 : i32
      %scan3A_28 = arith.addi %scan3A_23, %scan3A_27 : i32
      %mul3A_29 = arith.constant 16 : i32
      %mul3A_30 = arith.muli %scan3A_28, %mul3A_29 : i32
      %swap3A_31 = arith.index_cast %mul3A_30 : i32 to index
      %swap3A_32 = tpu.vector_load %arg4[%swap3A_31] {strides = array<i32>} : memref<10240xf32, #tpu.memory_space<vmem>>, vector<16xf32>,
      tpu.vector_store %arg4[%swap3A_31], %broadcast_in_dim3A_1 {strides = array<i32>} : memref<10240xf32, #tpu.memory_space<vmem>>, vector<16xf32>,
      %scan3A_33 = arith.constant 2 : i32
      %scan3A_34 = arith.addi %scan3A_23, %scan3A_33 : i32
      %mul3A_35 = arith.constant 16 : i32
      %mul3A_36 = arith.muli %scan3A_34, %mul3A_35 : i32
      %swap3A_37 = arith.index_cast %mul3A_36 : i32 to index
      %swap3A_38 = tpu.vector_load %arg4[%swap3A_37] {strides = array<i32>} : memref<10240xf32, #tpu.memory_space<vmem>>, vector<16xf32>,
      tpu.vector_store %arg4[%swap3A_37], %broadcast_in_dim3A_1 {strides = array<i32>} : memref<10240xf32, #tpu.memory_space<vmem>>, vector<16xf32>,
      %scan3A_39 = arith.constant 3 : i32
      %scan3A_40 = arith.addi %scan3A_23, %scan3A_39 : i32
      %mul3A_41 = arith.constant 16 : i32
      %mul3A_42 = arith.muli %scan3A_40, %mul3A_41 : i32
      %swap3A_43 = arith.index_cast %mul3A_42 : i32 to index
      %swap3A_44 = tpu.vector_load %arg4[%swap3A_43] {strides = array<i32>} : memref<10240xf32, #tpu.memory_space<vmem>>, vector<16xf32>,
      tpu.vector_store %arg4[%swap3A_43], %broadcast_in_dim3A_1 {strides = array<i32>} : memref<10240xf32, #tpu.memory_space<vmem>>, vector<16xf32>,
    }
    %scan3A_5 = arith.constant 640 : i32
    %mul3A_6 = arith.constant 10000 : i32
    %mul3A_7 = arith.muli %add3A, %mul3A_6 : i32
    %add3A_8 = arith.constant 320000 : i32
    %add3A_9 = arith.addi %add3A_8, %mul3A_7 : i32
    "tpu.region"() ({
      %run_scoped3A = tpu.sem_alloc : memref<!tpu.dma_semaphore, #tpu.memory_space<semaphore_mem>>
      %dma_start3A = tpu.memref_slice %arg2[%add3A_9] : memref<640000xi32, #tpu.memory_space<hbm>> -> memref<10000xi32, #tpu.memory_space<hbm>>
      %dma_start3A_23 = tpu.memref_slice %arg2[%add3A_9] : memref<640000xi32, #tpu.memory_space<hbm>> -> memref<10000xi32, #tpu.memory_space<hbm>>
      tpu.enqueue_dma source(%dma_start3A_23 : memref<10000xi32, #tpu.memory_space<hbm>>) target(%arg5 : memref<10000xi32, #tpu.memory_space<vmem>>) target_semaphore(%run_scoped3A : memref<!tpu.dma_semaphore, #tpu.memory_space<semaphore_mem>>)
      %dma_wait3A = tpu.memref_slice %arg2[%add3A_9] : memref<640000xi32, #tpu.memory_space<hbm>> -> memref<10000xi32, #tpu.memory_space<hbm>>
      %dma_wait3A_24 = tpu.memref_slice %arg2[%add3A_9] : memref<640000xi32, #tpu.memory_space<hbm>> -> memref<10000xi32, #tpu.memory_space<hbm>>
      tpu.wait_dma2 semaphore(%run_scoped3A : memref<!tpu.dma_semaphore, #tpu.memory_space<semaphore_mem>>) src(%dma_wait3A_24 : memref<10000xi32, #tpu.memory_space<hbm>>) dst(%arg5 : memref<10000xi32, #tpu.memory_space<vmem>>)
      tpu.yield
    }) : () -> ()
    %scan3A_10 = arith.constant 0 : i32
    %scan3A_11 = arith.constant 624 : i32
    %scan3A_12 = arith.addi %scan3A_10, %scan3A_11 : i32
    %scan3A_13 = arith.constant 4 : i32
    scf.for %scan3A_23 = %scan3A_10 to %scan3A_12 step %scan3A_13  : i32 {
      %mul3A_24 = arith.constant 16 : i32
      %mul3A_25 = arith.muli %scan3A_23, %mul3A_24 : i32
      %get3A_26 = arith.index_cast %mul3A_25 : i32 to index
      %get3A_27 = tpu.vector_load %arg5[%get3A_26] {strides = array<i32>} : memref<10000xi32, #tpu.memory_space<vmem>>, vector<16xi32>,
      %broadcast_in_dim3A_28 = arith.constant true
      %broadcast_in_dim3A_29 = vector.broadcast %broadcast_in_dim3A_28 : i1 to vector<16xi1>
      %unique3A_30, %unique3A_31 = tpu.scan_count mask(%broadcast_in_dim3A_29 : vector<16xi1>) value(%get3A_27 : vector<16xi32>) : vector<16xi1>, vector<16xi32>
      %convert_element_type3A_32 = arith.sitofp %unique3A_31 : vector<16xi32> to vector<16xf32>
      tpu.vector_store_idx %arg4[%get3A_27], %convert_element_type3A_32 masked %unique3A_30 {add = true} : memref<10240xf32, #tpu.memory_space<vmem>>[vector<16xi32>], vector<16xf32>, vector<16xi1>
      %scan3A_33 = arith.constant 1 : i32
      %scan3A_34 = arith.addi %scan3A_23, %scan3A_33 : i32
      %mul3A_35 = arith.constant 16 : i32
      %mul3A_36 = arith.muli %scan3A_34, %mul3A_35 : i32
      %get3A_37 = arith.index_cast %mul3A_36 : i32 to index
      %get3A_38 = tpu.vector_load %arg5[%get3A_37] {strides = array<i32>} : memref<10000xi32, #tpu.memory_space<vmem>>, vector<16xi32>,
      %broadcast_in_dim3A_39 = arith.constant true
      %broadcast_in_dim3A_40 = vector.broadcast %broadcast_in_dim3A_39 : i1 to vector<16xi1>
      %unique3A_41, %unique3A_42 = tpu.scan_count mask(%broadcast_in_dim3A_40 : vector<16xi1>) value(%get3A_38 : vector<16xi32>) : vector<16xi1>, vector<16xi32>
      %convert_element_type3A_43 = arith.sitofp %unique3A_42 : vector<16xi32> to vector<16xf32>
      tpu.vector_store_idx %arg4[%get3A_38], %convert_element_type3A_43 masked %unique3A_41 {add = true} : memref<10240xf32, #tpu.memory_space<vmem>>[vector<16xi32>], vector<16xf32>, vector<16xi1>
      %scan3A_44 = arith.constant 2 : i32
      %scan3A_45 = arith.addi %scan3A_23, %scan3A_44 : i32
      %mul3A_46 = arith.constant 16 : i32
      %mul3A_47 = arith.muli %scan3A_45, %mul3A_46 : i32
      %get3A_48 = arith.index_cast %mul3A_47 : i32 to index
      %get3A_49 = tpu.vector_load %arg5[%get3A_48] {strides = array<i32>} : memref<10000xi32, #tpu.memory_space<vmem>>, vector<16xi32>,
      %broadcast_in_dim3A_50 = arith.constant true
      %broadcast_in_dim3A_51 = vector.broadcast %broadcast_in_dim3A_50 : i1 to vector<16xi1>
      %unique3A_52, %unique3A_53 = tpu.scan_count mask(%broadcast_in_dim3A_51 : vector<16xi1>) value(%get3A_49 : vector<16xi32>) : vector<16xi1>, vector<16xi32>
      %convert_element_type3A_54 = arith.sitofp %unique3A_53 : vector<16xi32> to vector<16xf32>
      tpu.vector_store_idx %arg4[%get3A_49], %convert_element_type3A_54 masked %unique3A_52 {add = true} : memref<10240xf32, #tpu.memory_space<vmem>>[vector<16xi32>], vector<16xf32>, vector<16xi1>
      %scan3A_55 = arith.constant 3 : i32
      %scan3A_56 = arith.addi %scan3A_23, %scan3A_55 : i32
      %mul3A_57 = arith.constant 16 : i32
      %mul3A_58 = arith.muli %scan3A_56, %mul3A_57 : i32
      %get3A_59 = arith.index_cast %mul3A_58 : i32 to index
      %get3A_60 = tpu.vector_load %arg5[%get3A_59] {strides = array<i32>} : memref<10000xi32, #tpu.memory_space<vmem>>, vector<16xi32>,
      %broadcast_in_dim3A_61 = arith.constant true
      %broadcast_in_dim3A_62 = vector.broadcast %broadcast_in_dim3A_61 : i1 to vector<16xi1>
      %unique3A_63, %unique3A_64 = tpu.scan_count mask(%broadcast_in_dim3A_62 : vector<16xi1>) value(%get3A_60 : vector<16xi32>) : vector<16xi1>, vector<16xi32>
      %convert_element_type3A_65 = arith.sitofp %unique3A_64 : vector<16xi32> to vector<16xf32>
      tpu.vector_store_idx %arg4[%get3A_60], %convert_element_type3A_65 masked %unique3A_63 {add = true} : memref<10240xf32, #tpu.memory_space<vmem>>[vector<16xi32>], vector<16xf32>, vector<16xi1>
    }
    %scan3A_14 = arith.constant 624 : i32
    %scan3A_15 = arith.addi %scan3A_10, %scan3A_14 : i32
    %mul3A_16 = arith.constant 16 : i32
    %mul3A_17 = arith.muli %scan3A_15, %mul3A_16 : i32
    %get3A = arith.index_cast %mul3A_17 : i32 to index
    %get3A_18 = tpu.vector_load %arg5[%get3A] {strides = array<i32>} : memref<10000xi32, #tpu.memory_space<vmem>>, vector<16xi32>,
    %broadcast_in_dim3A_19 = arith.constant true
    %broadcast_in_dim3A_20 = vector.broadcast %broadcast_in_dim3A_19 : i1 to vector<16xi1>
    %unique3A, %unique3A_21 = tpu.scan_count mask(%broadcast_in_dim3A_20 : vector<16xi1>) value(%get3A_18 : vector<16xi32>) : vector<16xi1>, vector<16xi32>
    %convert_element_type3A = arith.sitofp %unique3A_21 : vector<16xi32> to vector<16xf32>
    tpu.vector_store_idx %arg4[%get3A_18], %convert_element_type3A masked %unique3A {add = true} : memref<10240xf32, #tpu.memory_space<vmem>>[vector<16xi32>], vector<16xf32>, vector<16xi1>
    %scan3A_22 = arith.constant 625 : i32
    "tpu.region"() ({
      %run_scoped3A = tpu.sem_alloc : memref<!tpu.dma_semaphore, #tpu.memory_space<semaphore_mem>>
      %dma_start3A = arith.constant 0 : i32
      %dma_start3A_23 = tpu.memref_slice %arg3[%add3A, %dma_start3A] : memref<32x10240xf32, #tpu.memory_space<hbm>> -> memref<1x10240xf32, #tpu.memory_space<hbm>>
      %dma_start3A_24 = tpu.memref_squeeze %dma_start3A_23 : memref<1x10240xf32, #tpu.memory_space<hbm>> -> memref<10240xf32, #tpu.memory_space<hbm>>
      %dma_start3A_25 = arith.constant 0 : i32
      %dma_start3A_26 = tpu.memref_slice %arg3[%add3A, %dma_start3A_25] : memref<32x10240xf32, #tpu.memory_space<hbm>> -> memref<1x10240xf32, #tpu.memory_space<hbm>>
      %dma_start3A_27 = tpu.memref_squeeze %dma_start3A_26 : memref<1x10240xf32, #tpu.memory_space<hbm>> -> memref<10240xf32, #tpu.memory_space<hbm>>
      tpu.enqueue_dma source(%arg4 : memref<10240xf32, #tpu.memory_space<vmem>>) target(%dma_start3A_27 : memref<10240xf32, #tpu.memory_space<hbm>>) target_semaphore(%run_scoped3A : memref<!tpu.dma_semaphore, #tpu.memory_space<semaphore_mem>>)
      %dma_wait3A = arith.constant 0 : i32
      %dma_wait3A_28 = tpu.memref_slice %arg3[%add3A, %dma_wait3A] : memref<32x10240xf32, #tpu.memory_space<hbm>> -> memref<1x10240xf32, #tpu.memory_space<hbm>>
      %dma_wait3A_29 = tpu.memref_squeeze %dma_wait3A_28 : memref<1x10240xf32, #tpu.memory_space<hbm>> -> memref<10240xf32, #tpu.memory_space<hbm>>
      %dma_wait3A_30 = arith.constant 0 : i32
      %dma_wait3A_31 = tpu.memref_slice %arg3[%add3A, %dma_wait3A_30] : memref<32x10240xf32, #tpu.memory_space<hbm>> -> memref<1x10240xf32, #tpu.memory_space<hbm>>
      %dma_wait3A_32 = tpu.memref_squeeze %dma_wait3A_31 : memref<1x10240xf32, #tpu.memory_space<hbm>> -> memref<10240xf32, #tpu.memory_space<hbm>>
      tpu.wait_dma2 semaphore(%run_scoped3A : memref<!tpu.dma_semaphore, #tpu.memory_space<semaphore_mem>>) src(%arg4 : memref<10240xf32, #tpu.memory_space<vmem>>) dst(%dma_wait3A_32 : memref<10240xf32, #tpu.memory_space<hbm>>)
      tpu.yield
    }) : () -> ()
    return
  }
}

#map = affine_map<(d0, d1) -> (0)>
#map1 = affine_map<(d0, d1) -> (0, 0)>
#map2 = affine_map<(d0, d1) -> (0, 0, 0)>
module attributes {stable_mosaic.version = 14 : i64} {
  func.func @_sc_segsum(%arg0: i32, %arg1: i32, %arg2: memref<640000xi32, #tpu.memory_space<hbm>>, %arg3: memref<10240x128xf32, #tpu.memory_space<hbm>>, %arg4: memref<632x128xf32, #tpu.memory_space<hbm>>, %arg5: memref<2x10112x128xf32, #tpu.memory_space<hbm>>, %arg6: memref<10112x128xf32, #tpu.memory_space<vmem_shared>>, %arg7: memref<10000xi32, #tpu.memory_space<vmem>>, %arg8: memref<10000xi32, #tpu.memory_space<vmem>>, %arg9: memref<80x128xf32, #tpu.memory_space<vmem>>, %arg10: memref<80x128xf32, #tpu.memory_space<vmem>>, %arg11: memref<!tpu.dma_semaphore, #tpu.memory_space<semaphore_mem>>, %arg12: memref<!tpu.dma_semaphore, #tpu.memory_space<semaphore_mem>>, %arg13: memref<!tpu.dma_semaphore, #tpu.memory_space<semaphore_mem>>, %arg14: memref<!tpu.dma_semaphore, #tpu.memory_space<semaphore_mem>>) attributes {dimension_semantics = [#tpu.dimension_semantics<core_parallel>, #tpu.dimension_semantics<subcore_parallel>], iteration_bounds = array<i64: 2, 16>, scalar_prefetch = 0 : i64, scratch_operands = 9 : i64, tpu.core_type = #tpu.core_type<sc_vector_subcore>, window_params = [{transform_indices = #map}, {transform_indices = #map1}, {transform_indices = #map1}, {transform_indices = #map2}]} {
    %mul3A = arith.constant 16 : i32
    %mul3A_0 = arith.muli %arg0, %mul3A : i32
    %add3A = arith.addi %mul3A_0, %arg1 : i32
    %mul3A_1 = arith.constant 10000 : i32
    %mul3A_2 = arith.muli %add3A, %mul3A_1 : i32
    %mul3A_3 = arith.constant 632 : i32
    %mul3A_4 = arith.muli %arg1, %mul3A_3 : i32
    "tpu.region"() ({
      %run_scoped3A = tpu.sem_alloc : memref<!tpu.dma_semaphore, #tpu.memory_space<semaphore_mem>>
      %dma_start3A_29 = arith.constant 0 : i32
      %dma_start3A_30 = tpu.memref_slice %arg6[%mul3A_4, %dma_start3A_29] : memref<10112x128xf32, #tpu.memory_space<vmem_shared>> -> memref<632x128xf32, #tpu.memory_space<vmem_shared>>
      tpu.enqueue_dma source(%arg4 : memref<632x128xf32, #tpu.memory_space<hbm>>) target(%dma_start3A_30 : memref<632x128xf32, #tpu.memory_space<vmem_shared>>) target_semaphore(%run_scoped3A : memref<!tpu.dma_semaphore, #tpu.memory_space<semaphore_mem>>)
      %dma_wait3A_31 = arith.constant 0 : i32
      %dma_wait3A_32 = tpu.memref_slice %arg6[%mul3A_4, %dma_wait3A_31] : memref<10112x128xf32, #tpu.memory_space<vmem_shared>> -> memref<632x128xf32, #tpu.memory_space<vmem_shared>>
      tpu.wait_dma2 semaphore(%run_scoped3A : memref<!tpu.dma_semaphore, #tpu.memory_space<semaphore_mem>>) src(%arg4 : memref<632x128xf32, #tpu.memory_space<hbm>>) dst(%dma_wait3A_32 : memref<632x128xf32, #tpu.memory_space<vmem_shared>>)
      tpu.yield
    }) : () -> ()
    "tpu.region"() ({
      %run_scoped3A = tpu.sem_alloc : memref<!tpu.dma_semaphore, #tpu.memory_space<semaphore_mem>>
      %dma_start3A_29 = tpu.memref_slice %arg2[%mul3A_2] : memref<640000xi32, #tpu.memory_space<hbm>> -> memref<10000xi32, #tpu.memory_space<hbm>>
      %dma_start3A_30 = tpu.memref_slice %arg2[%mul3A_2] : memref<640000xi32, #tpu.memory_space<hbm>> -> memref<10000xi32, #tpu.memory_space<hbm>>
      tpu.enqueue_dma source(%dma_start3A_30 : memref<10000xi32, #tpu.memory_space<hbm>>) target(%arg7 : memref<10000xi32, #tpu.memory_space<vmem>>) target_semaphore(%run_scoped3A : memref<!tpu.dma_semaphore, #tpu.memory_space<semaphore_mem>>)
      %dma_wait3A_31 = tpu.memref_slice %arg2[%mul3A_2] : memref<640000xi32, #tpu.memory_space<hbm>> -> memref<10000xi32, #tpu.memory_space<hbm>>
      %dma_wait3A_32 = tpu.memref_slice %arg2[%mul3A_2] : memref<640000xi32, #tpu.memory_space<hbm>> -> memref<10000xi32, #tpu.memory_space<hbm>>
      tpu.wait_dma2 semaphore(%run_scoped3A : memref<!tpu.dma_semaphore, #tpu.memory_space<semaphore_mem>>) src(%dma_wait3A_32 : memref<10000xi32, #tpu.memory_space<hbm>>) dst(%arg7 : memref<10000xi32, #tpu.memory_space<vmem>>)
      tpu.yield
    }) : () -> ()
    %add3A_5 = arith.constant 320000 : i32
    %add3A_6 = arith.addi %add3A_5, %mul3A_2 : i32
    "tpu.region"() ({
      %run_scoped3A = tpu.sem_alloc : memref<!tpu.dma_semaphore, #tpu.memory_space<semaphore_mem>>
      %dma_start3A_29 = tpu.memref_slice %arg2[%add3A_6] : memref<640000xi32, #tpu.memory_space<hbm>> -> memref<10000xi32, #tpu.memory_space<hbm>>
      %dma_start3A_30 = tpu.memref_slice %arg2[%add3A_6] : memref<640000xi32, #tpu.memory_space<hbm>> -> memref<10000xi32, #tpu.memory_space<hbm>>
      tpu.enqueue_dma source(%dma_start3A_30 : memref<10000xi32, #tpu.memory_space<hbm>>) target(%arg8 : memref<10000xi32, #tpu.memory_space<vmem>>) target_semaphore(%run_scoped3A : memref<!tpu.dma_semaphore, #tpu.memory_space<semaphore_mem>>)
      %dma_wait3A_31 = tpu.memref_slice %arg2[%add3A_6] : memref<640000xi32, #tpu.memory_space<hbm>> -> memref<10000xi32, #tpu.memory_space<hbm>>
      %dma_wait3A_32 = tpu.memref_slice %arg2[%add3A_6] : memref<640000xi32, #tpu.memory_space<hbm>> -> memref<10000xi32, #tpu.memory_space<hbm>>
      tpu.wait_dma2 semaphore(%run_scoped3A : memref<!tpu.dma_semaphore, #tpu.memory_space<semaphore_mem>>) src(%dma_wait3A_32 : memref<10000xi32, #tpu.memory_space<hbm>>) dst(%arg8 : memref<10000xi32, #tpu.memory_space<vmem>>)
      tpu.yield
    }) : () -> ()
    %barrier3A = arith.constant 0 : index
    tpu.barrier barrier_id(%barrier3A)
    %dma_start3A = arith.constant 0 : i32
    %dma_start3A_7 = tpu.memref_slice %arg7[%dma_start3A] : memref<10000xi32, #tpu.memory_space<vmem>> -> memref<80xi32, #tpu.memory_space<vmem>>
    %dma_start3A_8 = arith.constant 0 : i32
    %dma_start3A_9 = arith.constant 0 : i32
    %dma_start3A_10 = tpu.memref_slice %arg3[%dma_start3A_8, %dma_start3A_9] : memref<10240x128xf32, #tpu.memory_space<hbm>> -> memref<10240x128xf32, #tpu.memory_space<hbm>>
    tpu.enqueue_indirect_dma source(%dma_start3A_10 : memref<10240x128xf32, #tpu.memory_space<hbm>>) target(%arg9 : memref<80x128xf32, #tpu.memory_space<vmem>>) offsets(%dma_start3A_7 : memref<80xi32, #tpu.memory_space<vmem>>) semaphore(%arg11 : memref<!tpu.dma_semaphore, #tpu.memory_space<semaphore_mem>>)
    %scan3A = arith.constant 0 : i32
    %scan3A_11 = arith.constant 125 : i32
    %scan3A_12 = arith.addi %scan3A, %scan3A_11 : i32
    %scan3A_13 = arith.constant 1 : i32
    scf.for %scan3A_29 = %scan3A to %scan3A_12 step %scan3A_13  : i32 {
      %rem3A = arith.constant 2 : i32
      %rem3A_30 = arith.remsi %scan3A_29, %rem3A : i32
      %eq3A = arith.constant 0 : i32
      %eq3A_31 = arith.cmpi eq, %rem3A_30, %eq3A : i32
      %add3A_32 = arith.constant 1 : i32
      %add3A_33 = arith.addi %scan3A_29, %add3A_32 : i32
      %lt3A = arith.constant 125 : i32
      %lt3A_34 = arith.cmpi slt, %add3A_33, %lt3A : i32
      %convert_element_type3A = arith.extui %lt3A_34 : i1 to i32
      %cond3A = arith.constant 0 : i32
      %cond3A_35 = arith.cmpi ne, %convert_element_type3A, %cond3A : i32
      scf.if %cond3A_35 {
        %convert_element_type3A_43 = arith.extui %eq3A_31 : i1 to i32
        %cond3A_44 = arith.constant 0 : i32
        %cond3A_45 = arith.cmpi ne, %convert_element_type3A_43, %cond3A_44 : i32
        scf.if %cond3A_45 {
          %ge3A = arith.constant 1 : i32
          %ge3A_51 = arith.cmpi sge, %scan3A_29, %ge3A : i32
          %convert_element_type3A_52 = arith.extui %ge3A_51 : i1 to i32
          %cond3A_53 = arith.constant 0 : i32
          %cond3A_54 = arith.cmpi ne, %convert_element_type3A_52, %cond3A_53 : i32
          scf.if %cond3A_54 {
            %dma_wait3A_61 = arith.constant 0 : i32
            %dma_wait3A_62 = tpu.memref_slice %arg8[%dma_wait3A_61] : memref<10000xi32, #tpu.memory_space<vmem>> -> memref<80xi32, #tpu.memory_space<vmem>>
            %dma_wait3A_63 = arith.constant 0 : i32
            %dma_wait3A_64 = arith.constant 0 : i32
            %dma_wait3A_65 = tpu.memref_slice %arg6[%dma_wait3A_63, %dma_wait3A_64] : memref<10112x128xf32, #tpu.memory_space<vmem_shared>> -> memref<10112x128xf32, #tpu.memory_space<vmem_shared>>
            tpu.wait_indirect_dma semaphore(%arg14 : memref<!tpu.dma_semaphore, #tpu.memory_space<semaphore_mem>>) src(%arg10 : memref<80x128xf32, #tpu.memory_space<vmem>>) dst(%dma_wait3A_65 : memref<10112x128xf32, #tpu.memory_space<vmem_shared>>)
          } else {
          }
          %mul3A_55 = arith.constant 80 : i32
          %mul3A_56 = arith.muli %add3A_33, %mul3A_55 : i32
          %dma_start3A_57 = tpu.memref_slice %arg7[%mul3A_56] : memref<10000xi32, #tpu.memory_space<vmem>> -> memref<80xi32, #tpu.memory_space<vmem>>
          %dma_start3A_58 = arith.constant 0 : i32
          %dma_start3A_59 = arith.constant 0 : i32
          %dma_start3A_60 = tpu.memref_slice %arg3[%dma_start3A_58, %dma_start3A_59] : memref<10240x128xf32, #tpu.memory_space<hbm>> -> memref<10240x128xf32, #tpu.memory_space<hbm>>
          tpu.enqueue_indirect_dma source(%dma_start3A_60 : memref<10240x128xf32, #tpu.memory_space<hbm>>) target(%arg10 : memref<80x128xf32, #tpu.memory_space<vmem>>) offsets(%dma_start3A_57 : memref<80xi32, #tpu.memory_space<vmem>>) semaphore(%arg12 : memref<!tpu.dma_semaphore, #tpu.memory_space<semaphore_mem>>)
        } else {
        }
        %not3A_46 = arith.constant true
        %not3A_47 = arith.xori %eq3A_31, %not3A_46 : i1
        %convert_element_type3A_48 = arith.extui %not3A_47 : i1 to i32
        %cond3A_49 = arith.constant 0 : i32
        %cond3A_50 = arith.cmpi ne, %convert_element_type3A_48, %cond3A_49 : i32
        scf.if %cond3A_50 {
          %dma_wait3A_51 = arith.constant 0 : i32
          %dma_wait3A_52 = tpu.memref_slice %arg8[%dma_wait3A_51] : memref<10000xi32, #tpu.memory_space<vmem>> -> memref<80xi32, #tpu.memory_space<vmem>>
          %dma_wait3A_53 = arith.constant 0 : i32
          %dma_wait3A_54 = arith.constant 0 : i32
          %dma_wait3A_55 = tpu.memref_slice %arg6[%dma_wait3A_53, %dma_wait3A_54] : memref<10112x128xf32, #tpu.memory_space<vmem_shared>> -> memref<10112x128xf32, #tpu.memory_space<vmem_shared>>
          tpu.wait_indirect_dma semaphore(%arg13 : memref<!tpu.dma_semaphore, #tpu.memory_space<semaphore_mem>>) src(%arg9 : memref<80x128xf32, #tpu.memory_space<vmem>>) dst(%dma_wait3A_55 : memref<10112x128xf32, #tpu.memory_space<vmem_shared>>)
          %mul3A_56 = arith.constant 80 : i32
          %mul3A_57 = arith.muli %add3A_33, %mul3A_56 : i32
          %dma_start3A_58 = tpu.memref_slice %arg7[%mul3A_57] : memref<10000xi32, #tpu.memory_space<vmem>> -> memref<80xi32, #tpu.memory_space<vmem>>
          %dma_start3A_59 = arith.constant 0 : i32
          %dma_start3A_60 = arith.constant 0 : i32
          %dma_start3A_61 = tpu.memref_slice %arg3[%dma_start3A_59, %dma_start3A_60] : memref<10240x128xf32, #tpu.memory_space<hbm>> -> memref<10240x128xf32, #tpu.memory_space<hbm>>
          tpu.enqueue_indirect_dma source(%dma_start3A_61 : memref<10240x128xf32, #tpu.memory_space<hbm>>) target(%arg9 : memref<80x128xf32, #tpu.memory_space<vmem>>) offsets(%dma_start3A_58 : memref<80xi32, #tpu.memory_space<vmem>>) semaphore(%arg11 : memref<!tpu.dma_semaphore, #tpu.memory_space<semaphore_mem>>)
        } else {
        }
      } else {
      }
      %convert_element_type3A_36 = arith.extui %eq3A_31 : i1 to i32
      %cond3A_37 = arith.constant 0 : i32
      %cond3A_38 = arith.cmpi ne, %convert_element_type3A_36, %cond3A_37 : i32
      scf.if %cond3A_38 {
        %dma_wait3A_43 = arith.constant 0 : i32
        %dma_wait3A_44 = tpu.memref_slice %arg7[%dma_wait3A_43] : memref<10000xi32, #tpu.memory_space<vmem>> -> memref<80xi32, #tpu.memory_space<vmem>>
        %dma_wait3A_45 = arith.constant 0 : i32
        %dma_wait3A_46 = arith.constant 0 : i32
        %dma_wait3A_47 = tpu.memref_slice %arg3[%dma_wait3A_45, %dma_wait3A_46] : memref<10240x128xf32, #tpu.memory_space<hbm>> -> memref<10240x128xf32, #tpu.memory_space<hbm>>
        tpu.wait_indirect_dma semaphore(%arg11 : memref<!tpu.dma_semaphore, #tpu.memory_space<semaphore_mem>>) src(%dma_wait3A_47 : memref<10240x128xf32, #tpu.memory_space<hbm>>) dst(%arg9 : memref<80x128xf32, #tpu.memory_space<vmem>>)
        %mul3A_48 = arith.constant 80 : i32
        %mul3A_49 = arith.muli %scan3A_29, %mul3A_48 : i32
        %dma_start3A_50 = tpu.memref_slice %arg8[%mul3A_49] : memref<10000xi32, #tpu.memory_space<vmem>> -> memref<80xi32, #tpu.memory_space<vmem>>
        %dma_start3A_51 = arith.constant 0 : i32
        %dma_start3A_52 = arith.constant 0 : i32
        %dma_start3A_53 = tpu.memref_slice %arg6[%dma_start3A_51, %dma_start3A_52] : memref<10112x128xf32, #tpu.memory_space<vmem_shared>> -> memref<10112x128xf32, #tpu.memory_space<vmem_shared>>
        tpu.enqueue_indirect_dma source(%arg9 : memref<80x128xf32, #tpu.memory_space<vmem>>) target(%dma_start3A_53 : memref<10112x128xf32, #tpu.memory_space<vmem_shared>>) offsets(%dma_start3A_50 : memref<80xi32, #tpu.memory_space<vmem>>) semaphore(%arg13 : memref<!tpu.dma_semaphore, #tpu.memory_space<semaphore_mem>>) {add = true}
      } else {
      }
      %not3A = arith.constant true
      %not3A_39 = arith.xori %eq3A_31, %not3A : i1
      %convert_element_type3A_40 = arith.extui %not3A_39 : i1 to i32
      %cond3A_41 = arith.constant 0 : i32
      %cond3A_42 = arith.cmpi ne, %convert_element_type3A_40, %cond3A_41 : i32
      scf.if %cond3A_42 {
        %dma_wait3A_43 = arith.constant 0 : i32
        %dma_wait3A_44 = tpu.memref_slice %arg7[%dma_wait3A_43] : memref<10000xi32, #tpu.memory_space<vmem>> -> memref<80xi32, #tpu.memory_space<vmem>>
        %dma_wait3A_45 = arith.constant 0 : i32
        %dma_wait3A_46 = arith.constant 0 : i32
        %dma_wait3A_47 = tpu.memref_slice %arg3[%dma_wait3A_45, %dma_wait3A_46] : memref<10240x128xf32, #tpu.memory_space<hbm>> -> memref<10240x128xf32, #tpu.memory_space<hbm>>
        tpu.wait_indirect_dma semaphore(%arg12 : memref<!tpu.dma_semaphore, #tpu.memory_space<semaphore_mem>>) src(%dma_wait3A_47 : memref<10240x128xf32, #tpu.memory_space<hbm>>) dst(%arg10 : memref<80x128xf32, #tpu.memory_space<vmem>>)
        %mul3A_48 = arith.constant 80 : i32
        %mul3A_49 = arith.muli %scan3A_29, %mul3A_48 : i32
        %dma_start3A_50 = tpu.memref_slice %arg8[%mul3A_49] : memref<10000xi32, #tpu.memory_space<vmem>> -> memref<80xi32, #tpu.memory_space<vmem>>
        %dma_start3A_51 = arith.constant 0 : i32
        %dma_start3A_52 = arith.constant 0 : i32
        %dma_start3A_53 = tpu.memref_slice %arg6[%dma_start3A_51, %dma_start3A_52] : memref<10112x128xf32, #tpu.memory_space<vmem_shared>> -> memref<10112x128xf32, #tpu.memory_space<vmem_shared>>
        tpu.enqueue_indirect_dma source(%arg10 : memref<80x128xf32, #tpu.memory_space<vmem>>) target(%dma_start3A_53 : memref<10112x128xf32, #tpu.memory_space<vmem_shared>>) offsets(%dma_start3A_50 : memref<80xi32, #tpu.memory_space<vmem>>) semaphore(%arg14 : memref<!tpu.dma_semaphore, #tpu.memory_space<semaphore_mem>>) {add = true}
      } else {
      }
    }
    %scan3A_14 = arith.constant 125 : i32
    %dma_wait3A = arith.constant 0 : i32
    %dma_wait3A_15 = tpu.memref_slice %arg8[%dma_wait3A] : memref<10000xi32, #tpu.memory_space<vmem>> -> memref<80xi32, #tpu.memory_space<vmem>>
    %dma_wait3A_16 = arith.constant 0 : i32
    %dma_wait3A_17 = arith.constant 0 : i32
    %dma_wait3A_18 = tpu.memref_slice %arg6[%dma_wait3A_16, %dma_wait3A_17] : memref<10112x128xf32, #tpu.memory_space<vmem_shared>> -> memref<10112x128xf32, #tpu.memory_space<vmem_shared>>
    tpu.wait_indirect_dma semaphore(%arg13 : memref<!tpu.dma_semaphore, #tpu.memory_space<semaphore_mem>>) src(%arg9 : memref<80x128xf32, #tpu.memory_space<vmem>>) dst(%dma_wait3A_18 : memref<10112x128xf32, #tpu.memory_space<vmem_shared>>)
    %dma_wait3A_19 = arith.constant 0 : i32
    %dma_wait3A_20 = tpu.memref_slice %arg8[%dma_wait3A_19] : memref<10000xi32, #tpu.memory_space<vmem>> -> memref<80xi32, #tpu.memory_space<vmem>>
    %dma_wait3A_21 = arith.constant 0 : i32
    %dma_wait3A_22 = arith.constant 0 : i32
    %dma_wait3A_23 = tpu.memref_slice %arg6[%dma_wait3A_21, %dma_wait3A_22] : memref<10112x128xf32, #tpu.memory_space<vmem_shared>> -> memref<10112x128xf32, #tpu.memory_space<vmem_shared>>
    tpu.wait_indirect_dma semaphore(%arg14 : memref<!tpu.dma_semaphore, #tpu.memory_space<semaphore_mem>>) src(%arg10 : memref<80x128xf32, #tpu.memory_space<vmem>>) dst(%dma_wait3A_23 : memref<10112x128xf32, #tpu.memory_space<vmem_shared>>)
    %barrier3A_24 = arith.constant 0 : index
    tpu.barrier barrier_id(%barrier3A_24)
    %mul3A_25 = arith.constant 632 : i32
    %mul3A_26 = arith.muli %arg1, %mul3A_25 : i32
    %mul3A_27 = arith.constant 632 : i32
    %mul3A_28 = arith.muli %arg1, %mul3A_27 : i32
    "tpu.region"() ({
      %run_scoped3A = tpu.sem_alloc : memref<!tpu.dma_semaphore, #tpu.memory_space<semaphore_mem>>
      %dma_start3A_29 = arith.constant 0 : i32
      %dma_start3A_30 = arith.constant 0 : i32
      %dma_start3A_31 = tpu.memref_slice %arg5[%arg0, %dma_start3A_29, %dma_start3A_30] : memref<2x10112x128xf32, #tpu.memory_space<hbm>> -> memref<1x10112x128xf32, #tpu.memory_space<hbm>>
      %dma_start3A_32 = tpu.memref_squeeze %dma_start3A_31 : memref<1x10112x128xf32, #tpu.memory_space<hbm>> -> memref<10112x128xf32, #tpu.memory_space<hbm>>
      %dma_start3A_33 = arith.constant 0 : i32
      %dma_start3A_34 = tpu.memref_slice %dma_start3A_32[%mul3A_28, %dma_start3A_33] : memref<10112x128xf32, #tpu.memory_space<hbm>> -> memref<632x128xf32, #tpu.memory_space<hbm>>
      %dma_start3A_35 = arith.constant 0 : i32
      %dma_start3A_36 = tpu.memref_slice %arg6[%mul3A_26, %dma_start3A_35] : memref<10112x128xf32, #tpu.memory_space<vmem_shared>> -> memref<632x128xf32, #tpu.memory_space<vmem_shared>>
      tpu.enqueue_dma source(%dma_start3A_36 : memref<632x128xf32, #tpu.memory_space<vmem_shared>>) target(%dma_start3A_34 : memref<632x128xf32, #tpu.memory_space<hbm>>) target_semaphore(%run_scoped3A : memref<!tpu.dma_semaphore, #tpu.memory_space<semaphore_mem>>)
      %dma_wait3A_37 = arith.constant 0 : i32
      %dma_wait3A_38 = arith.constant 0 : i32
      %dma_wait3A_39 = tpu.memref_slice %arg5[%arg0, %dma_wait3A_37, %dma_wait3A_38] : memref<2x10112x128xf32, #tpu.memory_space<hbm>> -> memref<1x10112x128xf32, #tpu.memory_space<hbm>>
      %dma_wait3A_40 = tpu.memref_squeeze %dma_wait3A_39 : memref<1x10112x128xf32, #tpu.memory_space<hbm>> -> memref<10112x128xf32, #tpu.memory_space<hbm>>
      %dma_wait3A_41 = arith.constant 0 : i32
      %dma_wait3A_42 = tpu.memref_slice %dma_wait3A_40[%mul3A_28, %dma_wait3A_41] : memref<10112x128xf32, #tpu.memory_space<hbm>> -> memref<632x128xf32, #tpu.memory_space<hbm>>
      %dma_wait3A_43 = arith.constant 0 : i32
      %dma_wait3A_44 = tpu.memref_slice %arg6[%mul3A_26, %dma_wait3A_43] : memref<10112x128xf32, #tpu.memory_space<vmem_shared>> -> memref<632x128xf32, #tpu.memory_space<vmem_shared>>
      tpu.wait_dma2 semaphore(%run_scoped3A : memref<!tpu.dma_semaphore, #tpu.memory_space<semaphore_mem>>) src(%dma_wait3A_44 : memref<632x128xf32, #tpu.memory_space<vmem_shared>>) dst(%dma_wait3A_42 : memref<632x128xf32, #tpu.memory_space<hbm>>)
      tpu.yield
    }) : () -> ()
    return
  }
}

#map = affine_map<(d0, d1) -> (0)>
module attributes {stable_mosaic.version = 14 : i64} {
  func.func @_sc_edge_out(%arg0: i32, %arg1: i32, %arg2: memref<640000xi32, #tpu.memory_space<hbm>>, %arg3: memref<10240xf32, #tpu.memory_space<hbm>>, %arg4: memref<10240xf32, #tpu.memory_space<hbm>>, %arg5: memref<327680xf32, #tpu.memory_space<hbm>>, %arg6: memref<320000xf32, #tpu.memory_space<hbm>>, %arg7: memref<10240xf32, #tpu.memory_space<vmem>>, %arg8: memref<10240xf32, #tpu.memory_space<vmem>>, %arg9: memref<10000xi32, #tpu.memory_space<vmem>>, %arg10: memref<10000xi32, #tpu.memory_space<vmem>>, %arg11: memref<10000xf32, #tpu.memory_space<vmem>>, %arg12: memref<10000xf32, #tpu.memory_space<vmem>>) attributes {dimension_semantics = [#tpu.dimension_semantics<core_parallel>, #tpu.dimension_semantics<subcore_parallel>], iteration_bounds = array<i64: 2, 16>, scalar_prefetch = 0 : i64, scratch_operands = 6 : i64, tpu.core_type = #tpu.core_type<sc_vector_subcore>, window_params = [{transform_indices = #map}, {transform_indices = #map}, {transform_indices = #map}, {transform_indices = #map}, {transform_indices = #map}]} {
    %mul3A = arith.constant 16 : i32
    %mul3A_0 = arith.muli %arg0, %mul3A : i32
    %add3A = arith.addi %mul3A_0, %arg1 : i32
    %mul3A_1 = arith.constant 10000 : i32
    %mul3A_2 = arith.muli %add3A, %mul3A_1 : i32
    "tpu.region"() ({
      %run_scoped3A = tpu.sem_alloc : memref<!tpu.dma_semaphore, #tpu.memory_space<semaphore_mem>>
      tpu.enqueue_dma source(%arg3 : memref<10240xf32, #tpu.memory_space<hbm>>) target(%arg7 : memref<10240xf32, #tpu.memory_space<vmem>>) target_semaphore(%run_scoped3A : memref<!tpu.dma_semaphore, #tpu.memory_space<semaphore_mem>>)
      tpu.wait_dma2 semaphore(%run_scoped3A : memref<!tpu.dma_semaphore, #tpu.memory_space<semaphore_mem>>) src(%arg3 : memref<10240xf32, #tpu.memory_space<hbm>>) dst(%arg7 : memref<10240xf32, #tpu.memory_space<vmem>>)
      tpu.yield
    }) : () -> ()
    "tpu.region"() ({
      %run_scoped3A = tpu.sem_alloc : memref<!tpu.dma_semaphore, #tpu.memory_space<semaphore_mem>>
      tpu.enqueue_dma source(%arg4 : memref<10240xf32, #tpu.memory_space<hbm>>) target(%arg8 : memref<10240xf32, #tpu.memory_space<vmem>>) target_semaphore(%run_scoped3A : memref<!tpu.dma_semaphore, #tpu.memory_space<semaphore_mem>>)
      tpu.wait_dma2 semaphore(%run_scoped3A : memref<!tpu.dma_semaphore, #tpu.memory_space<semaphore_mem>>) src(%arg4 : memref<10240xf32, #tpu.memory_space<hbm>>) dst(%arg8 : memref<10240xf32, #tpu.memory_space<vmem>>)
      tpu.yield
    }) : () -> ()
    "tpu.region"() ({
      %run_scoped3A = tpu.sem_alloc : memref<!tpu.dma_semaphore, #tpu.memory_space<semaphore_mem>>
      %dma_start3A = tpu.memref_slice %arg2[%mul3A_2] : memref<640000xi32, #tpu.memory_space<hbm>> -> memref<10000xi32, #tpu.memory_space<hbm>>
      %dma_start3A_22 = tpu.memref_slice %arg2[%mul3A_2] : memref<640000xi32, #tpu.memory_space<hbm>> -> memref<10000xi32, #tpu.memory_space<hbm>>
      tpu.enqueue_dma source(%dma_start3A_22 : memref<10000xi32, #tpu.memory_space<hbm>>) target(%arg9 : memref<10000xi32, #tpu.memory_space<vmem>>) target_semaphore(%run_scoped3A : memref<!tpu.dma_semaphore, #tpu.memory_space<semaphore_mem>>)
      %dma_wait3A = tpu.memref_slice %arg2[%mul3A_2] : memref<640000xi32, #tpu.memory_space<hbm>> -> memref<10000xi32, #tpu.memory_space<hbm>>
      %dma_wait3A_23 = tpu.memref_slice %arg2[%mul3A_2] : memref<640000xi32, #tpu.memory_space<hbm>> -> memref<10000xi32, #tpu.memory_space<hbm>>
      tpu.wait_dma2 semaphore(%run_scoped3A : memref<!tpu.dma_semaphore, #tpu.memory_space<semaphore_mem>>) src(%dma_wait3A_23 : memref<10000xi32, #tpu.memory_space<hbm>>) dst(%arg9 : memref<10000xi32, #tpu.memory_space<vmem>>)
      tpu.yield
    }) : () -> ()
    %add3A_3 = arith.constant 320000 : i32
    %add3A_4 = arith.addi %add3A_3, %mul3A_2 : i32
    "tpu.region"() ({
      %run_scoped3A = tpu.sem_alloc : memref<!tpu.dma_semaphore, #tpu.memory_space<semaphore_mem>>
      %dma_start3A = tpu.memref_slice %arg2[%add3A_4] : memref<640000xi32, #tpu.memory_space<hbm>> -> memref<10000xi32, #tpu.memory_space<hbm>>
      %dma_start3A_22 = tpu.memref_slice %arg2[%add3A_4] : memref<640000xi32, #tpu.memory_space<hbm>> -> memref<10000xi32, #tpu.memory_space<hbm>>
      tpu.enqueue_dma source(%dma_start3A_22 : memref<10000xi32, #tpu.memory_space<hbm>>) target(%arg10 : memref<10000xi32, #tpu.memory_space<vmem>>) target_semaphore(%run_scoped3A : memref<!tpu.dma_semaphore, #tpu.memory_space<semaphore_mem>>)
      %dma_wait3A = tpu.memref_slice %arg2[%add3A_4] : memref<640000xi32, #tpu.memory_space<hbm>> -> memref<10000xi32, #tpu.memory_space<hbm>>
      %dma_wait3A_23 = tpu.memref_slice %arg2[%add3A_4] : memref<640000xi32, #tpu.memory_space<hbm>> -> memref<10000xi32, #tpu.memory_space<hbm>>
      tpu.wait_dma2 semaphore(%run_scoped3A : memref<!tpu.dma_semaphore, #tpu.memory_space<semaphore_mem>>) src(%dma_wait3A_23 : memref<10000xi32, #tpu.memory_space<hbm>>) dst(%arg10 : memref<10000xi32, #tpu.memory_space<vmem>>)
      tpu.yield
    }) : () -> ()
    "tpu.region"() ({
      %run_scoped3A = tpu.sem_alloc : memref<!tpu.dma_semaphore, #tpu.memory_space<semaphore_mem>>
      %dma_start3A = tpu.memref_slice %arg5[%mul3A_2] : memref<327680xf32, #tpu.memory_space<hbm>> -> memref<10000xf32, #tpu.memory_space<hbm>>
      %dma_start3A_22 = tpu.memref_slice %arg5[%mul3A_2] : memref<327680xf32, #tpu.memory_space<hbm>> -> memref<10000xf32, #tpu.memory_space<hbm>>
      tpu.enqueue_dma source(%dma_start3A_22 : memref<10000xf32, #tpu.memory_space<hbm>>) target(%arg11 : memref<10000xf32, #tpu.memory_space<vmem>>) target_semaphore(%run_scoped3A : memref<!tpu.dma_semaphore, #tpu.memory_space<semaphore_mem>>)
      %dma_wait3A = tpu.memref_slice %arg5[%mul3A_2] : memref<327680xf32, #tpu.memory_space<hbm>> -> memref<10000xf32, #tpu.memory_space<hbm>>
      %dma_wait3A_23 = tpu.memref_slice %arg5[%mul3A_2] : memref<327680xf32, #tpu.memory_space<hbm>> -> memref<10000xf32, #tpu.memory_space<hbm>>
      tpu.wait_dma2 semaphore(%run_scoped3A : memref<!tpu.dma_semaphore, #tpu.memory_space<semaphore_mem>>) src(%dma_wait3A_23 : memref<10000xf32, #tpu.memory_space<hbm>>) dst(%arg11 : memref<10000xf32, #tpu.memory_space<vmem>>)
      tpu.yield
    }) : () -> ()
    %scan3A = arith.constant 0 : i32
    %scan3A_5 = arith.constant 624 : i32
    %scan3A_6 = arith.addi %scan3A, %scan3A_5 : i32
    %scan3A_7 = arith.constant 4 : i32
    scf.for %scan3A_22 = %scan3A to %scan3A_6 step %scan3A_7  : i32 {
      %mul3A_23 = arith.constant 16 : i32
      %mul3A_24 = arith.muli %scan3A_22, %mul3A_23 : i32
      %get3A_25 = arith.index_cast %mul3A_24 : i32 to index
      %get3A_26 = tpu.vector_load %arg9[%get3A_25] {strides = array<i32>} : memref<10000xi32, #tpu.memory_space<vmem>>, vector<16xi32>,
      %gather3A_27 = tpu.vector_load_idx %arg7[%get3A_26] : memref<10240xf32, #tpu.memory_space<vmem>>[vector<16xi32>], vector<16xf32>,
      %get3A_28 = arith.index_cast %mul3A_24 : i32 to index
      %get3A_29 = tpu.vector_load %arg10[%get3A_28] {strides = array<i32>} : memref<10000xi32, #tpu.memory_space<vmem>>, vector<16xi32>,
      %gather3A_30 = tpu.vector_load_idx %arg8[%get3A_29] : memref<10240xf32, #tpu.memory_space<vmem>>[vector<16xi32>], vector<16xf32>,
      %add3A_31 = arith.addf %gather3A_27, %gather3A_30 : vector<16xf32>
      %get3A_32 = arith.index_cast %mul3A_24 : i32 to index
      %get3A_33 = tpu.vector_load %arg11[%get3A_32] {strides = array<i32>} : memref<10000xf32, #tpu.memory_space<vmem>>, vector<16xf32>,
      %add3A_34 = arith.addf %add3A_31, %get3A_33 : vector<16xf32>
      %swap3A_35 = arith.index_cast %mul3A_24 : i32 to index
      %swap3A_36 = tpu.vector_load %arg12[%swap3A_35] {strides = array<i32>} : memref<10000xf32, #tpu.memory_space<vmem>>, vector<16xf32>,
      tpu.vector_store %arg12[%swap3A_35], %add3A_34 {strides = array<i32>} : memref<10000xf32, #tpu.memory_space<vmem>>, vector<16xf32>,
      %scan3A_37 = arith.constant 1 : i32
      %scan3A_38 = arith.addi %scan3A_22, %scan3A_37 : i32
      %mul3A_39 = arith.constant 16 : i32
      %mul3A_40 = arith.muli %scan3A_38, %mul3A_39 : i32
      %get3A_41 = arith.index_cast %mul3A_40 : i32 to index
      %get3A_42 = tpu.vector_load %arg9[%get3A_41] {strides = array<i32>} : memref<10000xi32, #tpu.memory_space<vmem>>, vector<16xi32>,
      %gather3A_43 = tpu.vector_load_idx %arg7[%get3A_42] : memref<10240xf32, #tpu.memory_space<vmem>>[vector<16xi32>], vector<16xf32>,
      %get3A_44 = arith.index_cast %mul3A_40 : i32 to index
      %get3A_45 = tpu.vector_load %arg10[%get3A_44] {strides = array<i32>} : memref<10000xi32, #tpu.memory_space<vmem>>, vector<16xi32>,
      %gather3A_46 = tpu.vector_load_idx %arg8[%get3A_45] : memref<10240xf32, #tpu.memory_space<vmem>>[vector<16xi32>], vector<16xf32>,
      %add3A_47 = arith.addf %gather3A_43, %gather3A_46 : vector<16xf32>
      %get3A_48 = arith.index_cast %mul3A_40 : i32 to index
      %get3A_49 = tpu.vector_load %arg11[%get3A_48] {strides = array<i32>} : memref<10000xf32, #tpu.memory_space<vmem>>, vector<16xf32>,
      %add3A_50 = arith.addf %add3A_47, %get3A_49 : vector<16xf32>
      %swap3A_51 = arith.index_cast %mul3A_40 : i32 to index
      %swap3A_52 = tpu.vector_load %arg12[%swap3A_51] {strides = array<i32>} : memref<10000xf32, #tpu.memory_space<vmem>>, vector<16xf32>,
      tpu.vector_store %arg12[%swap3A_51], %add3A_50 {strides = array<i32>} : memref<10000xf32, #tpu.memory_space<vmem>>, vector<16xf32>,
      %scan3A_53 = arith.constant 2 : i32
      %scan3A_54 = arith.addi %scan3A_22, %scan3A_53 : i32
      %mul3A_55 = arith.constant 16 : i32
      %mul3A_56 = arith.muli %scan3A_54, %mul3A_55 : i32
      %get3A_57 = arith.index_cast %mul3A_56 : i32 to index
      %get3A_58 = tpu.vector_load %arg9[%get3A_57] {strides = array<i32>} : memref<10000xi32, #tpu.memory_space<vmem>>, vector<16xi32>,
      %gather3A_59 = tpu.vector_load_idx %arg7[%get3A_58] : memref<10240xf32, #tpu.memory_space<vmem>>[vector<16xi32>], vector<16xf32>,
      %get3A_60 = arith.index_cast %mul3A_56 : i32 to index
      %get3A_61 = tpu.vector_load %arg10[%get3A_60] {strides = array<i32>} : memref<10000xi32, #tpu.memory_space<vmem>>, vector<16xi32>,
      %gather3A_62 = tpu.vector_load_idx %arg8[%get3A_61] : memref<10240xf32, #tpu.memory_space<vmem>>[vector<16xi32>], vector<16xf32>,
      %add3A_63 = arith.addf %gather3A_59, %gather3A_62 : vector<16xf32>
      %get3A_64 = arith.index_cast %mul3A_56 : i32 to index
      %get3A_65 = tpu.vector_load %arg11[%get3A_64] {strides = array<i32>} : memref<10000xf32, #tpu.memory_space<vmem>>, vector<16xf32>,
      %add3A_66 = arith.addf %add3A_63, %get3A_65 : vector<16xf32>
      %swap3A_67 = arith.index_cast %mul3A_56 : i32 to index
      %swap3A_68 = tpu.vector_load %arg12[%swap3A_67] {strides = array<i32>} : memref<10000xf32, #tpu.memory_space<vmem>>, vector<16xf32>,
      tpu.vector_store %arg12[%swap3A_67], %add3A_66 {strides = array<i32>} : memref<10000xf32, #tpu.memory_space<vmem>>, vector<16xf32>,
      %scan3A_69 = arith.constant 3 : i32
      %scan3A_70 = arith.addi %scan3A_22, %scan3A_69 : i32
      %mul3A_71 = arith.constant 16 : i32
      %mul3A_72 = arith.muli %scan3A_70, %mul3A_71 : i32
      %get3A_73 = arith.index_cast %mul3A_72 : i32 to index
      %get3A_74 = tpu.vector_load %arg9[%get3A_73] {strides = array<i32>} : memref<10000xi32, #tpu.memory_space<vmem>>, vector<16xi32>,
      %gather3A_75 = tpu.vector_load_idx %arg7[%get3A_74] : memref<10240xf32, #tpu.memory_space<vmem>>[vector<16xi32>], vector<16xf32>,
      %get3A_76 = arith.index_cast %mul3A_72 : i32 to index
      %get3A_77 = tpu.vector_load %arg10[%get3A_76] {strides = array<i32>} : memref<10000xi32, #tpu.memory_space<vmem>>, vector<16xi32>,
      %gather3A_78 = tpu.vector_load_idx %arg8[%get3A_77] : memref<10240xf32, #tpu.memory_space<vmem>>[vector<16xi32>], vector<16xf32>,
      %add3A_79 = arith.addf %gather3A_75, %gather3A_78 : vector<16xf32>
      %get3A_80 = arith.index_cast %mul3A_72 : i32 to index
      %get3A_81 = tpu.vector_load %arg11[%get3A_80] {strides = array<i32>} : memref<10000xf32, #tpu.memory_space<vmem>>, vector<16xf32>,
      %add3A_82 = arith.addf %add3A_79, %get3A_81 : vector<16xf32>
      %swap3A_83 = arith.index_cast %mul3A_72 : i32 to index
      %swap3A_84 = tpu.vector_load %arg12[%swap3A_83] {strides = array<i32>} : memref<10000xf32, #tpu.memory_space<vmem>>, vector<16xf32>,
      tpu.vector_store %arg12[%swap3A_83], %add3A_82 {strides = array<i32>} : memref<10000xf32, #tpu.memory_space<vmem>>, vector<16xf32>,
    }
    %scan3A_8 = arith.constant 624 : i32
    %scan3A_9 = arith.addi %scan3A, %scan3A_8 : i32
    %mul3A_10 = arith.constant 16 : i32
    %mul3A_11 = arith.muli %scan3A_9, %mul3A_10 : i32
    %get3A = arith.index_cast %mul3A_11 : i32 to index
    %get3A_12 = tpu.vector_load %arg9[%get3A] {strides = array<i32>} : memref<10000xi32, #tpu.memory_space<vmem>>, vector<16xi32>,
    %gather3A = tpu.vector_load_idx %arg7[%get3A_12] : memref<10240xf32, #tpu.memory_space<vmem>>[vector<16xi32>], vector<16xf32>,
    %get3A_13 = arith.index_cast %mul3A_11 : i32 to index
    %get3A_14 = tpu.vector_load %arg10[%get3A_13] {strides = array<i32>} : memref<10000xi32, #tpu.memory_space<vmem>>, vector<16xi32>,
    %gather3A_15 = tpu.vector_load_idx %arg8[%get3A_14] : memref<10240xf32, #tpu.memory_space<vmem>>[vector<16xi32>], vector<16xf32>,
    %add3A_16 = arith.addf %gather3A, %gather3A_15 : vector<16xf32>
    %get3A_17 = arith.index_cast %mul3A_11 : i32 to index
    %get3A_18 = tpu.vector_load %arg11[%get3A_17] {strides = array<i32>} : memref<10000xf32, #tpu.memory_space<vmem>>, vector<16xf32>,
    %add3A_19 = arith.addf %add3A_16, %get3A_18 : vector<16xf32>
    %swap3A = arith.index_cast %mul3A_11 : i32 to index
    %swap3A_20 = tpu.vector_load %arg12[%swap3A] {strides = array<i32>} : memref<10000xf32, #tpu.memory_space<vmem>>, vector<16xf32>,
    tpu.vector_store %arg12[%swap3A], %add3A_19 {strides = array<i32>} : memref<10000xf32, #tpu.memory_space<vmem>>, vector<16xf32>,
    %scan3A_21 = arith.constant 625 : i32
    "tpu.region"() ({
      %run_scoped3A = tpu.sem_alloc : memref<!tpu.dma_semaphore, #tpu.memory_space<semaphore_mem>>
      %dma_start3A = tpu.memref_slice %arg6[%mul3A_2] : memref<320000xf32, #tpu.memory_space<hbm>> -> memref<10000xf32, #tpu.memory_space<hbm>>
      %dma_start3A_22 = tpu.memref_slice %arg6[%mul3A_2] : memref<320000xf32, #tpu.memory_space<hbm>> -> memref<10000xf32, #tpu.memory_space<hbm>>
      tpu.enqueue_dma source(%arg12 : memref<10000xf32, #tpu.memory_space<vmem>>) target(%dma_start3A_22 : memref<10000xf32, #tpu.memory_space<hbm>>) target_semaphore(%run_scoped3A : memref<!tpu.dma_semaphore, #tpu.memory_space<semaphore_mem>>)
      %dma_wait3A = tpu.memref_slice %arg6[%mul3A_2] : memref<320000xf32, #tpu.memory_space<hbm>> -> memref<10000xf32, #tpu.memory_space<hbm>>
      %dma_wait3A_23 = tpu.memref_slice %arg6[%mul3A_2] : memref<320000xf32, #tpu.memory_space<hbm>> -> memref<10000xf32, #tpu.memory_space<hbm>>
      tpu.wait_dma2 semaphore(%run_scoped3A : memref<!tpu.dma_semaphore, #tpu.memory_space<semaphore_mem>>) src(%arg12 : memref<10000xf32, #tpu.memory_space<vmem>>) dst(%dma_wait3A_23 : memref<10000xf32, #tpu.memory_space<hbm>>)
      tpu.yield
    }) : () -> ()
    return
  }
}

module attributes {stable_mosaic.version = 14 : i64} {
  func.func @_tc_node_body(%arg0: i32, %arg1: memref<1024x128xf32, #tpu.memory_space<vmem>>, %arg2: memref<32x10240xf32, #tpu.memory_space<vmem>>, %arg3: memref<128x128xf32, #tpu.memory_space<vmem>>, %arg4: memref<1x128xf32, #tpu.memory_space<vmem>>, %arg5: memref<1024x128xf32, #tpu.memory_space<vmem>>, %arg6: memref<1024x1xf32, #tpu.memory_space<vmem>>) attributes {dimension_semantics = [#tpu.dimension_semantics<arbitrary>], iteration_bounds = array<i64: 10>, scalar_prefetch = 0 : i64, scratch_operands = 0 : i64, tpu.core_type = #tpu.core_type<tc>, window_params = [{transform_indices = @transform_0, window_bounds = array<i64: 1024, 128>}, {pipeline_mode = #tpu.pipeline_mode<synchronous>, transform_indices = @transform_1, window_bounds = array<i64: 32, 10240>}, {pipeline_mode = #tpu.pipeline_mode<synchronous>, transform_indices = @transform_2, window_bounds = array<i64: 128, 128>}, {pipeline_mode = #tpu.pipeline_mode<synchronous>, transform_indices = @transform_3, window_bounds = array<i64: 1, 128>}, {transform_indices = @transform_4, window_bounds = array<i64: 1024, 128>}, {transform_indices = @transform_5, window_bounds = array<i64: 1024, 1>}]} {
    %mul3A = arith.constant 1024 : i32
    %mul3A_0 = arith.muli %arg0, %mul3A : i32
    %get3A = arith.constant 0 : index
    %get3A_1 = arith.index_cast %mul3A_0 : i32 to index
    %get3A_2 = vector.load %arg2[%get3A, %get3A_1] : memref<32x10240xf32, #tpu.memory_space<vmem>>, vector<32x1024xf32>
    %reduce_sum3A = arith.constant dense<0.000000e+00> : vector<1024xf32>
    %reduce_sum3A_3 = vector.multi_reduction <add>, %get3A_2, %reduce_sum3A [0] : vector<32x1024xf32> to vector<1024xf32>
    %add3A = arith.constant 1.000000e+00 : f32
    %add3A_4 = vector.broadcast %add3A : f32 to vector<1024xf32>
    %add3A_5 = arith.addf %reduce_sum3A_3, %add3A_4 : vector<1024xf32>
    %rsqrt3A = math.rsqrt %add3A_5 : vector<1024xf32>
    %broadcast_in_dim3A = vector.shape_cast %rsqrt3A : vector<1024xf32> to vector<1024x1xf32>
    %get3A_6 = arith.constant 0 : index
    %get3A_7 = arith.constant 0 : index
    %get3A_8 = vector.load %arg1[%get3A_6, %get3A_7] : memref<1024x128xf32, #tpu.memory_space<vmem>>, vector<1024x128xf32>
    %get3A_9 = arith.constant 0 : index
    %get3A_10 = arith.constant 0 : index
    %get3A_11 = vector.load %arg3[%get3A_9, %get3A_10] : memref<128x128xf32, #tpu.memory_space<vmem>>, vector<128x128xf32>
    %dot_general3A = arith.constant dense<0.000000e+00> : vector<1024x128xf32>
    %dot_general3A_12 = tpu.matmul %get3A_8, %get3A_11, %dot_general3A {dimension_numbers = #tpu.dot_dimension_numbers<[1], [0], [0], [1], [0, 0, 1, 1], [], []>, transpose_lhs_hint = false} : vector<1024x128xf32>, vector<128x128xf32>, vector<1024x128xf32> -> vector<1024x128xf32>
    %get3A_13 = arith.constant 0 : index
    %get3A_14 = arith.constant 0 : index
    %get3A_15 = vector.load %arg4[%get3A_13, %get3A_14] : memref<1x128xf32, #tpu.memory_space<vmem>>, vector<1x128xf32>
    %add3A_16 = vector.broadcast %get3A_15 : vector<1x128xf32> to vector<1024x128xf32>
    %add3A_17 = arith.addf %dot_general3A_12, %add3A_16 : vector<1024x128xf32>
    %max3A = arith.constant 0.000000e+00 : f32
    %max3A_18 = vector.broadcast %max3A : f32 to vector<1024x128xf32>
    %max3A_19 = arith.maximumf %add3A_17, %max3A_18 : vector<1024x128xf32>
    %mul3A_20 = vector.broadcast %broadcast_in_dim3A : vector<1024x1xf32> to vector<1024x128xf32>
    %mul3A_21 = arith.mulf %max3A_19, %mul3A_20 : vector<1024x128xf32>
    %swap3A = arith.constant 0 : index
    %swap3A_22 = arith.constant 0 : index
    %swap3A_23 = vector.load %arg5[%swap3A, %swap3A_22] : memref<1024x128xf32, #tpu.memory_space<vmem>>, vector<1024x128xf32>
    tpu.vector_store %arg5[%swap3A, %swap3A_22], %mul3A_21 {strides = array<i32>} : memref<1024x128xf32, #tpu.memory_space<vmem>>, vector<1024x128xf32>,
    %swap3A_24 = arith.constant 0 : index
    %swap3A_25 = arith.constant 0 : index
    %swap3A_26 = vector.load %arg6[%swap3A_24, %swap3A_25] : memref<1024x1xf32, #tpu.memory_space<vmem>>, vector<1024x1xf32>
    tpu.vector_store %arg6[%swap3A_24, %swap3A_25], %broadcast_in_dim3A {strides = array<i32>} : memref<1024x1xf32, #tpu.memory_space<vmem>>, vector<1024x1xf32>,
    return
  }
  func.func @transform_0(%arg0: i32) -> (i32, i32) {
    %c0_i32 = arith.constant 0 : i32
    %c0_i32_0 = arith.constant 0 : i32
    return %arg0, %c0_i32 : i32, i32
  }
  func.func @transform_1(%arg0: i32) -> (i32, i32) {
    %c0_i32 = arith.constant 0 : i32
    %c0_i32_0 = arith.constant 0 : i32
    %c0_i32_1 = arith.constant 0 : i32
    return %c0_i32, %c0_i32_0 : i32, i32
  }
  func.func @transform_2(%arg0: i32) -> (i32, i32) {
    %c0_i32 = arith.constant 0 : i32
    %c0_i32_0 = arith.constant 0 : i32
    %c0_i32_1 = arith.constant 0 : i32
    return %c0_i32, %c0_i32_0 : i32, i32
  }
  func.func @transform_3(%arg0: i32) -> (i32, i32) {
    %c0_i32 = arith.constant 0 : i32
    %c0_i32_0 = arith.constant 0 : i32
    %c0_i32_1 = arith.constant 0 : i32
    return %c0_i32, %c0_i32_0 : i32, i32
  }
  func.func @transform_4(%arg0: i32) -> (i32, i32) {
    %c0_i32 = arith.constant 0 : i32
    %c0_i32_0 = arith.constant 0 : i32
    return %arg0, %c0_i32 : i32, i32
  }
  func.func @transform_5(%arg0: i32) -> (i32, i32) {
    %c0_i32 = arith.constant 0 : i32
    %c0_i32_0 = arith.constant 0 : i32
    return %arg0, %c0_i32 : i32, i32
  }
}

module attributes {stable_mosaic.version = 14 : i64} {
  func.func @_tc_edge_body(%arg0: i32, %arg1: memref<16384x16xf32, #tpu.memory_space<vmem>>, %arg2: memref<16x128xf32, #tpu.memory_space<vmem>>, %arg3: memref<1x128xf32, #tpu.memory_space<vmem>>, %arg4: memref<1x128xf32, #tpu.memory_space<vmem>>, %arg5: memref<1x1xf32, #tpu.memory_space<vmem>>, %arg6: memref<16384xf32, #tpu.memory_space<vmem>>) attributes {dimension_semantics = [#tpu.dimension_semantics<arbitrary>], iteration_bounds = array<i64: 20>, scalar_prefetch = 0 : i64, scratch_operands = 0 : i64, tpu.core_type = #tpu.core_type<tc>, window_params = [{transform_indices = @transform_0, window_bounds = array<i64: 16384, 16>}, {pipeline_mode = #tpu.pipeline_mode<synchronous>, transform_indices = @transform_1, window_bounds = array<i64: 16, 128>}, {pipeline_mode = #tpu.pipeline_mode<synchronous>, transform_indices = @transform_2, window_bounds = array<i64: 1, 128>}, {pipeline_mode = #tpu.pipeline_mode<synchronous>, transform_indices = @transform_3, window_bounds = array<i64: 1, 128>}, {pipeline_mode = #tpu.pipeline_mode<synchronous>, transform_indices = @transform_4, window_bounds = array<i64: 1, 1>}, {transform_indices = @transform_5, window_bounds = array<i64: 16384>}]} {
    %get3A = arith.constant 0 : index
    %get3A_0 = arith.constant 0 : index
    %get3A_1 = vector.load %arg1[%get3A, %get3A_0] : memref<16384x16xf32, #tpu.memory_space<vmem>>, vector<16384x16xf32>
    %get3A_2 = arith.constant 0 : index
    %get3A_3 = arith.constant 0 : index
    %get3A_4 = vector.load %arg2[%get3A_2, %get3A_3] : memref<16x128xf32, #tpu.memory_space<vmem>>, vector<16x128xf32>
    %dot_general3A = arith.constant dense<0.000000e+00> : vector<16384x128xf32>
    %dot_general3A_5 = tpu.matmul %get3A_1, %get3A_4, %dot_general3A {dimension_numbers = #tpu.dot_dimension_numbers<[1], [0], [0], [1], [0, 0, 1, 1], [], []>, transpose_lhs_hint = false} : vector<16384x16xf32>, vector<16x128xf32>, vector<16384x128xf32> -> vector<16384x128xf32>
    %get3A_6 = arith.constant 0 : index
    %get3A_7 = arith.constant 0 : index
    %get3A_8 = vector.load %arg3[%get3A_6, %get3A_7] : memref<1x128xf32, #tpu.memory_space<vmem>>, vector<1x128xf32>
    %add3A = vector.broadcast %get3A_8 : vector<1x128xf32> to vector<16384x128xf32>
    %add3A_9 = arith.addf %dot_general3A_5, %add3A : vector<16384x128xf32>
    %max3A = arith.constant 0.000000e+00 : f32
    %max3A_10 = vector.broadcast %max3A : f32 to vector<16384x128xf32>
    %max3A_11 = arith.maximumf %add3A_9, %max3A_10 : vector<16384x128xf32>
    %get3A_12 = arith.constant 0 : index
    %get3A_13 = arith.constant 0 : index
    %get3A_14 = vector.load %arg4[%get3A_12, %get3A_13] : memref<1x128xf32, #tpu.memory_space<vmem>>, vector<1x128xf32>
    %mul3A = vector.broadcast %get3A_14 : vector<1x128xf32> to vector<16384x128xf32>
    %mul3A_15 = arith.mulf %max3A_11, %mul3A : vector<16384x128xf32>
    %reduce_sum3A = arith.constant dense<0.000000e+00> : vector<16384xf32>
    %reduce_sum3A_16 = vector.multi_reduction <add>, %mul3A_15, %reduce_sum3A [1] : vector<16384x128xf32> to vector<16384xf32>
    %get3A_17 = arith.constant 0 : index
    %get3A_18 = arith.constant 0 : index
    %get3A_19 = vector.load %arg5[%get3A_17, %get3A_18] : memref<1x1xf32, #tpu.memory_space<vmem>>, vector<1x1xf32>
    %get3A_20 = vector.extract %get3A_19[0, 0] : f32 from vector<1x1xf32>
    %add3A_21 = vector.broadcast %get3A_20 : f32 to vector<16384xf32>
    %add3A_22 = arith.addf %reduce_sum3A_16, %add3A_21 : vector<16384xf32>
    %swap3A = arith.constant 0 : index
    %swap3A_23 = vector.load %arg6[%swap3A] : memref<16384xf32, #tpu.memory_space<vmem>>, vector<16384xf32>
    tpu.vector_store %arg6[%swap3A], %add3A_22 {strides = array<i32>} : memref<16384xf32, #tpu.memory_space<vmem>>, vector<16384xf32>,
    return
  }
  func.func @transform_0(%arg0: i32) -> (i32, i32) {
    %c0_i32 = arith.constant 0 : i32
    %c0_i32_0 = arith.constant 0 : i32
    return %arg0, %c0_i32 : i32, i32
  }
  func.func @transform_1(%arg0: i32) -> (i32, i32) {
    %c0_i32 = arith.constant 0 : i32
    %c0_i32_0 = arith.constant 0 : i32
    %c0_i32_1 = arith.constant 0 : i32
    return %c0_i32, %c0_i32_0 : i32, i32
  }
  func.func @transform_2(%arg0: i32) -> (i32, i32) {
    %c0_i32 = arith.constant 0 : i32
    %c0_i32_0 = arith.constant 0 : i32
    %c0_i32_1 = arith.constant 0 : i32
    return %c0_i32, %c0_i32_0 : i32, i32
  }
  func.func @transform_3(%arg0: i32) -> (i32, i32) {
    %c0_i32 = arith.constant 0 : i32
    %c0_i32_0 = arith.constant 0 : i32
    %c0_i32_1 = arith.constant 0 : i32
    return %c0_i32, %c0_i32_0 : i32, i32
  }
  func.func @transform_4(%arg0: i32) -> (i32, i32) {
    %c0_i32 = arith.constant 0 : i32
    %c0_i32_0 = arith.constant 0 : i32
    %c0_i32_1 = arith.constant 0 : i32
    return %c0_i32, %c0_i32_0 : i32, i32
  }
  func.func @transform_5(%arg0: i32) -> i32 {
    %c0_i32 = arith.constant 0 : i32
    return %arg0 : i32
  }
}

module attributes {stable_mosaic.version = 14 : i64} {
  func.func @_tc_gates_body(%arg0: i32, %arg1: memref<2x2048x128xf32, #tpu.memory_space<vmem>>, %arg2: memref<2048x128xf32, #tpu.memory_space<vmem>>, %arg3: memref<2048x1xf32, #tpu.memory_space<vmem>>, %arg4: memref<128x128xf32, #tpu.memory_space<vmem>>, %arg5: memref<1x128xf32, #tpu.memory_space<vmem>>, %arg6: memref<256x128xf32, #tpu.memory_space<vmem>>, %arg7: memref<1x128xf32, #tpu.memory_space<vmem>>, %arg8: memref<128x128xf32, #tpu.memory_space<vmem>>, %arg9: memref<1x128xf32, #tpu.memory_space<vmem>>, %arg10: memref<256x128xf32, #tpu.memory_space<vmem>>, %arg11: memref<1x128xf32, #tpu.memory_space<vmem>>, %arg12: memref<384x1xf32, #tpu.memory_space<vmem>>, %arg13: memref<2048x1xf32, #tpu.memory_space<vmem>>, %arg14: memref<2048x1xf32, #tpu.memory_space<vmem>>) attributes {dimension_semantics = [#tpu.dimension_semantics<arbitrary>], iteration_bounds = array<i64: 5>, scalar_prefetch = 0 : i64, scratch_operands = 0 : i64, tpu.core_type = #tpu.core_type<tc>, window_params = [{transform_indices = @transform_0, window_bounds = array<i64: 2, 2048, 128>}, {transform_indices = @transform_1, window_bounds = array<i64: 2048, 128>}, {transform_indices = @transform_2, window_bounds = array<i64: 2048, 1>}, {pipeline_mode = #tpu.pipeline_mode<synchronous>, transform_indices = @transform_3, window_bounds = array<i64: 128, 128>}, {pipeline_mode = #tpu.pipeline_mode<synchronous>, transform_indices = @transform_4, window_bounds = array<i64: 1, 128>}, {pipeline_mode = #tpu.pipeline_mode<synchronous>, transform_indices = @transform_5, window_bounds = array<i64: 256, 128>}, {pipeline_mode = #tpu.pipeline_mode<synchronous>, transform_indices = @transform_6, window_bounds = array<i64: 1, 128>}, {pipeline_mode = #tpu.pipeline_mode<synchronous>, transform_indices = @transform_7, window_bounds = array<i64: 128, 128>}, {pipeline_mode = #tpu.pipeline_mode<synchronous>, transform_indices = @transform_8, window_bounds = array<i64: 1, 128>}, {pipeline_mode = #tpu.pipeline_mode<synchronous>, transform_indices = @transform_9, window_bounds = array<i64: 256, 128>}, {pipeline_mode = #tpu.pipeline_mode<synchronous>, transform_indices = @transform_10, window_bounds = array<i64: 1, 128>}, {pipeline_mode = #tpu.pipeline_mode<synchronous>, transform_indices = @transform_11, window_bounds = array<i64: 384, 1>}, {transform_indices = @transform_12, window_bounds = array<i64: 2048, 1>}, {transform_indices = @transform_13, window_bounds = array<i64: 2048, 1>}]} {
    %get3A = arith.constant 0 : index
    %get3A_0 = arith.constant 0 : index
    %get3A_1 = arith.constant 0 : index
    %get3A_2 = vector.load %arg1[%get3A, %get3A_0, %get3A_1] : memref<2x2048x128xf32, #tpu.memory_space<vmem>>, vector<1x2048x128xf32>
    %get3A_3 = vector.shape_cast %get3A_2 : vector<1x2048x128xf32> to vector<2048x128xf32>
    %get3A_4 = arith.constant 1 : index
    %get3A_5 = arith.constant 0 : index
    %get3A_6 = arith.constant 0 : index
    %get3A_7 = vector.load %arg1[%get3A_4, %get3A_5, %get3A_6] : memref<2x2048x128xf32, #tpu.memory_space<vmem>>, vector<1x2048x128xf32>
    %get3A_8 = vector.shape_cast %get3A_7 : vector<1x2048x128xf32> to vector<2048x128xf32>
    %add3A = arith.addf %get3A_3, %get3A_8 : vector<2048x128xf32>
    %get3A_9 = arith.constant 0 : index
    %get3A_10 = arith.constant 0 : index
    %get3A_11 = vector.load %arg2[%get3A_9, %get3A_10] : memref<2048x128xf32, #tpu.memory_space<vmem>>, vector<2048x128xf32>
    %add3A_12 = arith.addf %add3A, %get3A_11 : vector<2048x128xf32>
    %get3A_13 = arith.constant 0 : index
    %get3A_14 = arith.constant 0 : index
    %get3A_15 = vector.load %arg3[%get3A_13, %get3A_14] : memref<2048x1xf32, #tpu.memory_space<vmem>>, vector<2048x1xf32>
    %mul3A = vector.broadcast %get3A_15 : vector<2048x1xf32> to vector<2048x128xf32>
    %mul3A_16 = arith.mulf %add3A_12, %mul3A : vector<2048x128xf32>
    %get3A_17 = arith.constant 0 : index
    %get3A_18 = arith.constant 0 : index
    %get3A_19 = vector.load %arg6[%get3A_17, %get3A_18] : memref<256x128xf32, #tpu.memory_space<vmem>>, vector<128x128xf32>
    %get3A_20 = arith.constant 0 : index
    %get3A_21 = arith.constant 0 : index
    %get3A_22 = vector.load %arg4[%get3A_20, %get3A_21] : memref<128x128xf32, #tpu.memory_space<vmem>>, vector<128x128xf32>
    %dot_general3A = arith.constant dense<0.000000e+00> : vector<128x128xf32>
    %dot_general3A_23 = tpu.matmul %get3A_22, %get3A_19, %dot_general3A {dimension_numbers = #tpu.dot_dimension_numbers<[1], [0], [0], [1], [0, 0, 1, 1], [], []>, transpose_lhs_hint = false} : vector<128x128xf32>, vector<128x128xf32>, vector<128x128xf32> -> vector<128x128xf32>
    %get3A_24 = arith.constant 0 : index
    %get3A_25 = arith.constant 0 : index
    %get3A_26 = vector.load %arg5[%get3A_24, %get3A_25] : memref<1x128xf32, #tpu.memory_space<vmem>>, vector<1x128xf32>
    %dot_general3A_27 = arith.constant dense<0.000000e+00> : vector<1x128xf32>
    %dot_general3A_28 = tpu.matmul %get3A_26, %get3A_19, %dot_general3A_27 {dimension_numbers = #tpu.dot_dimension_numbers<[1], [0], [0], [1], [0, 0, 1, 1], [], []>, transpose_lhs_hint = false} : vector<1x128xf32>, vector<128x128xf32>, vector<1x128xf32> -> vector<1x128xf32>
    %get3A_29 = arith.constant 0 : index
    %get3A_30 = arith.constant 0 : index
    %get3A_31 = vector.load %arg7[%get3A_29, %get3A_30] : memref<1x128xf32, #tpu.memory_space<vmem>>, vector<1x128xf32>
    %add3A_32 = arith.addf %dot_general3A_28, %get3A_31 : vector<1x128xf32>
    %dot_general3A_33 = arith.constant dense<0.000000e+00> : vector<2048x128xf32>
    %dot_general3A_34 = tpu.matmul %mul3A_16, %dot_general3A_23, %dot_general3A_33 {dimension_numbers = #tpu.dot_dimension_numbers<[1], [0], [0], [1], [0, 0, 1, 1], [], []>, transpose_lhs_hint = false} : vector<2048x128xf32>, vector<128x128xf32>, vector<2048x128xf32> -> vector<2048x128xf32>
    %add3A_35 = vector.broadcast %add3A_32 : vector<1x128xf32> to vector<2048x128xf32>
    %add3A_36 = arith.addf %dot_general3A_34, %add3A_35 : vector<2048x128xf32>
    %logistic3A = arith.negf %add3A_36 : vector<2048x128xf32>
    %logistic3A_37 = math.exp %logistic3A : vector<2048x128xf32>
    %logistic3A_38 = arith.constant 1.000000e+00 : f32
    %logistic3A_39 = vector.broadcast %logistic3A_38 : f32 to vector<2048x128xf32>
    %logistic3A_40 = arith.addf %logistic3A_39, %logistic3A_37 : vector<2048x128xf32>
    %logistic3A_41 = arith.divf %logistic3A_39, %logistic3A_40 : vector<2048x128xf32>
    %get3A_42 = arith.constant 0 : index
    %get3A_43 = arith.constant 0 : index
    %get3A_44 = vector.load %arg10[%get3A_42, %get3A_43] : memref<256x128xf32, #tpu.memory_space<vmem>>, vector<128x128xf32>
    %get3A_45 = arith.constant 0 : index
    %get3A_46 = arith.constant 0 : index
    %get3A_47 = vector.load %arg8[%get3A_45, %get3A_46] : memref<128x128xf32, #tpu.memory_space<vmem>>, vector<128x128xf32>
    %dot_general3A_48 = arith.constant dense<0.000000e+00> : vector<128x128xf32>
    %dot_general3A_49 = tpu.matmul %get3A_47, %get3A_44, %dot_general3A_48 {dimension_numbers = #tpu.dot_dimension_numbers<[1], [0], [0], [1], [0, 0, 1, 1], [], []>, transpose_lhs_hint = false} : vector<128x128xf32>, vector<128x128xf32>, vector<128x128xf32> -> vector<128x128xf32>
    %get3A_50 = arith.constant 0 : index
    %get3A_51 = arith.constant 0 : index
    %get3A_52 = vector.load %arg9[%get3A_50, %get3A_51] : memref<1x128xf32, #tpu.memory_space<vmem>>, vector<1x128xf32>
    %dot_general3A_53 = arith.constant dense<0.000000e+00> : vector<1x128xf32>
    %dot_general3A_54 = tpu.matmul %get3A_52, %get3A_44, %dot_general3A_53 {dimension_numbers = #tpu.dot_dimension_numbers<[1], [0], [0], [1], [0, 0, 1, 1], [], []>, transpose_lhs_hint = false} : vector<1x128xf32>, vector<128x128xf32>, vector<1x128xf32> -> vector<1x128xf32>
    %get3A_55 = arith.constant 0 : index
    %get3A_56 = arith.constant 0 : index
    %get3A_57 = vector.load %arg11[%get3A_55, %get3A_56] : memref<1x128xf32, #tpu.memory_space<vmem>>, vector<1x128xf32>
    %add3A_58 = arith.addf %dot_general3A_54, %get3A_57 : vector<1x128xf32>
    %dot_general3A_59 = arith.constant dense<0.000000e+00> : vector<2048x128xf32>
    %dot_general3A_60 = tpu.matmul %mul3A_16, %dot_general3A_49, %dot_general3A_59 {dimension_numbers = #tpu.dot_dimension_numbers<[1], [0], [0], [1], [0, 0, 1, 1], [], []>, transpose_lhs_hint = false} : vector<2048x128xf32>, vector<128x128xf32>, vector<2048x128xf32> -> vector<2048x128xf32>
    %add3A_61 = vector.broadcast %add3A_58 : vector<1x128xf32> to vector<2048x128xf32>
    %add3A_62 = arith.addf %dot_general3A_60, %add3A_61 : vector<2048x128xf32>
    %tanh3A = math.tanh %add3A_62 : vector<2048x128xf32>
    %sub3A = arith.constant 1.000000e+00 : f32
    %sub3A_63 = vector.broadcast %sub3A : f32 to vector<2048x128xf32>
    %sub3A_64 = arith.subf %sub3A_63, %logistic3A_41 : vector<2048x128xf32>
    %mul3A_65 = arith.mulf %sub3A_64, %tanh3A : vector<2048x128xf32>
    %get3A_66 = arith.constant 0 : index
    %get3A_67 = arith.constant 0 : index
    %get3A_68 = vector.load %arg12[%get3A_66, %get3A_67] : memref<384x1xf32, #tpu.memory_space<vmem>>, vector<128x1xf32>
    %dot_general3A_69 = arith.constant dense<0.000000e+00> : vector<2048x1xf32>
    %dot_general3A_70 = tpu.matmul %mul3A_65, %get3A_68, %dot_general3A_69 {dimension_numbers = #tpu.dot_dimension_numbers<[1], [0], [0], [1], [0, 0, 1, 1], [], []>, transpose_lhs_hint = false} : vector<2048x128xf32>, vector<128x1xf32>, vector<2048x1xf32> -> vector<2048x1xf32>
    %swap3A = arith.constant 0 : index
    %swap3A_71 = arith.constant 0 : index
    %swap3A_72 = vector.load %arg13[%swap3A, %swap3A_71] : memref<2048x1xf32, #tpu.memory_space<vmem>>, vector<2048x1xf32>
    tpu.vector_store %arg13[%swap3A, %swap3A_71], %dot_general3A_70 {strides = array<i32>} : memref<2048x1xf32, #tpu.memory_space<vmem>>, vector<2048x1xf32>,
    %get3A_73 = arith.constant 128 : index
    %get3A_74 = arith.constant 0 : index
    %get3A_75 = vector.load %arg12[%get3A_73, %get3A_74] : memref<384x1xf32, #tpu.memory_space<vmem>>, vector<128x1xf32>
    %dot_general3A_76 = arith.constant dense<0.000000e+00> : vector<2048x1xf32>
    %dot_general3A_77 = tpu.matmul %mul3A_65, %get3A_75, %dot_general3A_76 {dimension_numbers = #tpu.dot_dimension_numbers<[1], [0], [0], [1], [0, 0, 1, 1], [], []>, transpose_lhs_hint = false} : vector<2048x128xf32>, vector<128x1xf32>, vector<2048x1xf32> -> vector<2048x1xf32>
    %swap3A_78 = arith.constant 0 : index
    %swap3A_79 = arith.constant 0 : index
    %swap3A_80 = vector.load %arg14[%swap3A_78, %swap3A_79] : memref<2048x1xf32, #tpu.memory_space<vmem>>, vector<2048x1xf32>
    tpu.vector_store %arg14[%swap3A_78, %swap3A_79], %dot_general3A_77 {strides = array<i32>} : memref<2048x1xf32, #tpu.memory_space<vmem>>, vector<2048x1xf32>,
    return
  }
  func.func @transform_0(%arg0: i32) -> (i32, i32, i32) {
    %c0_i32 = arith.constant 0 : i32
    %c0_i32_0 = arith.constant 0 : i32
    %c0_i32_1 = arith.constant 0 : i32
    return %c0_i32, %arg0, %c0_i32_0 : i32, i32, i32
  }
  func.func @transform_1(%arg0: i32) -> (i32, i32) {
    %c0_i32 = arith.constant 0 : i32
    %c0_i32_0 = arith.constant 0 : i32
    return %arg0, %c0_i32 : i32, i32
  }
  func.func @transform_2(%arg0: i32) -> (i32, i32) {
    %c0_i32 = arith.constant 0 : i32
    %c0_i32_0 = arith.constant 0 : i32
    return %arg0, %c0_i32 : i32, i32
  }
  func.func @transform_3(%arg0: i32) -> (i32, i32) {
    %c0_i32 = arith.constant 0 : i32
    %c0_i32_0 = arith.constant 0 : i32
    %c0_i32_1 = arith.constant 0 : i32
    return %c0_i32, %c0_i32_0 : i32, i32
  }
  func.func @transform_4(%arg0: i32) -> (i32, i32) {
    %c0_i32 = arith.constant 0 : i32
    %c0_i32_0 = arith.constant 0 : i32
    %c0_i32_1 = arith.constant 0 : i32
    return %c0_i32, %c0_i32_0 : i32, i32
  }
  func.func @transform_5(%arg0: i32) -> (i32, i32) {
    %c0_i32 = arith.constant 0 : i32
    %c0_i32_0 = arith.constant 0 : i32
    %c0_i32_1 = arith.constant 0 : i32
    return %c0_i32, %c0_i32_0 : i32, i32
  }
  func.func @transform_6(%arg0: i32) -> (i32, i32) {
    %c0_i32 = arith.constant 0 : i32
    %c0_i32_0 = arith.constant 0 : i32
    %c0_i32_1 = arith.constant 0 : i32
    return %c0_i32, %c0_i32_0 : i32, i32
  }
  func.func @transform_7(%arg0: i32) -> (i32, i32) {
    %c0_i32 = arith.constant 0 : i32
    %c0_i32_0 = arith.constant 0 : i32
    %c0_i32_1 = arith.constant 0 : i32
    return %c0_i32, %c0_i32_0 : i32, i32
  }
  func.func @transform_8(%arg0: i32) -> (i32, i32) {
    %c0_i32 = arith.constant 0 : i32
    %c0_i32_0 = arith.constant 0 : i32
    %c0_i32_1 = arith.constant 0 : i32
    return %c0_i32, %c0_i32_0 : i32, i32
  }
  func.func @transform_9(%arg0: i32) -> (i32, i32) {
    %c0_i32 = arith.constant 0 : i32
    %c0_i32_0 = arith.constant 0 : i32
    %c0_i32_1 = arith.constant 0 : i32
    return %c0_i32, %c0_i32_0 : i32, i32
  }
  func.func @transform_10(%arg0: i32) -> (i32, i32) {
    %c0_i32 = arith.constant 0 : i32
    %c0_i32_0 = arith.constant 0 : i32
    %c0_i32_1 = arith.constant 0 : i32
    return %c0_i32, %c0_i32_0 : i32, i32
  }
  func.func @transform_11(%arg0: i32) -> (i32, i32) {
    %c0_i32 = arith.constant 0 : i32
    %c0_i32_0 = arith.constant 0 : i32
    %c0_i32_1 = arith.constant 0 : i32
    return %c0_i32, %c0_i32_0 : i32, i32
  }
  func.func @transform_12(%arg0: i32) -> (i32, i32) {
    %c0_i32 = arith.constant 0 : i32
    %c0_i32_0 = arith.constant 0 : i32
    return %arg0, %c0_i32 : i32, i32
  }
  func.func @transform_13(%arg0: i32) -> (i32, i32) {
    %c0_i32 = arith.constant 0 : i32
    %c0_i32_0 = arith.constant 0 : i32
    return %arg0, %c0_i32 : i32, i32
  }
}

</mosaic_0001>

<sc_bundles>
// kernel: kernel.11.cloned.1.call-start
scs
__scs_entry_jumppad:
0x0: {  	(pc) =	sbr.rel $0x88, $3  }
0x1: {  	(tag) =	ssettag $0x0;
	lr =	simm.s32 $0x1  }
0x2: {  	[smem:$0x3F90] =	sst lr;
	_ =	strace $0xD0000000  }
0x3: {  	_ = 	snop  }
0x4: {  	_ = 	snop  }
0x5: {  	_ = 	snop  }
0x6: {  	_ = 	snop  }
0x7: {  	_ = 	snop  }
__scs_overlays_trampoline_lowered:
0x8: {  	[smem:$0x3F9F] =	sst s0  }
0x9: {  	[smem:$0x3FA0] =	sst s1  }
0xa: {  	[smem:$0x3FA1] =	sst s2  }
0xb: {  	[smem:$0x3FA2] =	sst s3  }
0xc: {  	[smem:$0x3FA3] =	sst s4  }
0xd: {  	[smem:$0x3FA4] =	sst s5  }
0xe: {  	[smem:$0x3FA5] =	sst s6  }
0xf: {  	[smem:$0x3FA6] =	sst s7  }
0x10: {  	[smem:$0x3FA7] =	sst s8  }
0x11: {  	[smem:$0x3FA8] =	sst s9;
	s0 =	simm.s32 @!p0 $0x0  }
0x12: {  	s1 =	sld [smem:$0x3F8E];
	s0 =	simm.s32 @p0 $0x1  }
0x13: {  	[smem:$0x3FA9] =	sst s0;
	s0 =	simm.s32 @!p1 $0x0  }
0x14: {  	s2 =	sld [smem:$0x3F8D];
	s0 =	simm.s32 @p1 $0x1  }
0x15: {  	[smem:$0x3FAA] =	sst s0;
	s0 =	simm.s32 @!p2 $0x0  }
0x16: {  	s3 =	sld [smem:$0x3FDB];
	s0 =	simm.s32 @p2 $0x1  }
0x17: {  	s4 =	simm.s32 $0x1BF5;
	[smem:$0x3FAC] =	sst s0  }
0x18: {  	s0 =	sld [smem:$0x3F8F];
	_ =	swait.ge [sflag:s4], $0x0  }
0x19: {  	s7 =	sld [smem:$0x3F90]  }
0x1a: {  	s8 =	sadd.s32 $0xFFFFE003, lr  }
0x1b: {  	s9 =	sadd.s32 $0xFFFFFEF7, lr;
	s5 =	simm.s32 $0xFFFFFFFF;
	p2 =	slt.u32 s8, $0xFFFFF086  }
0x1c: {  	p1 =	slt.u32 s9, $0xF7A;
	s5 =	simm.s32 @!p2 $0x0  }
0x1d: {  	s5 =	simm.s32 @p1 $0x1;
	p0 =	seq.s32 s7, s2  }
0x1e: {  	s7 =	smul.u32 @!p0 $0xF7A, s2;
	p2 =	seq.s32 @!p0 s5, $0x0  }
0x1f: {  	s9 =	smul.u32 $0xF7A, s1;
	s8 =	simm.s32 @!p0 $0x1BF5;
	p2 =	por !p2, p0  }
0x20: {  	[sflag:s8] =	ssyncset.s32 @!p0 $0xFFFFF086;
	s6 =	sadd.s32 @!p0 s3, s7;
	s7 =	simm.s32 @!p0 $0x108  }
0x21: {  	s3 =	sadd.s32 s3, s9;
	s6 =	sadd.s32 @!p0 $0x88, s6;
	s7 =	simm.s32 @p2 $0x1082  }
0x22: {  	[simem:s7], [sflag:s8] =	dma.local @!p0 [hbm:s6], $0xF7A  }
0x23: {  	s9 =	sor.u32 $0xD0000000, s2;
	s6 =	simm.s32 $0x108;
	_ =	swait.ge @!p0 [sflag:s8], $0x0  }
0x24: {  	s3 =	sadd.s32 $0x88, s3;
	s6 =	simm.s32 @!p1 $0x1082;
	[sflag:s4] =	ssyncset.s32 $0xFFFFF086  }
0x25: {  	[simem:s6], [sflag:s4] =	dma.local [hbm:s3], $0xF7A  }
0x26: {  	[smem:$0x3F90] =	sst s1;
	(tag) =	ssettag s2;
	_ =	strace s9  }
0x27: {  	s1 =	sld [smem:$0x3FA0]  }
0x28: {  	s2 =	sld [smem:$0x3FA1]  }
0x29: {  	s4 =	sld [smem:$0x3FA3]  }
0x2a: {  	p0 =	seq.s32 s5, $0x0;
	s5 =	sld [smem:$0x3FA4]  }
0x2b: {  	s6 =	sld [smem:$0x3FA5]  }
0x2c: {  	s7 =	sld [smem:$0x3FA6]  }
0x2d: {  	s3 =	simm.s32 $0x108;
	s8 =	sld [smem:$0x3FA7]  }
0x2e: {  	s3 =	simm.s32 @!p0 $0x1082;
	s9 =	sld [smem:$0x3FA8]  }
0x2f: {  	lr =	sadd.s32 s0, s3;
	s0 =	sld [smem:$0x3F9F]  }
0x30: {  	s3 =	sld [smem:$0x3FA2]  }
0x31: {  	[smem:$0x3FAB] =	sst s10  }
0x32: {  	s10 =	sld [smem:$0x3FA9];
	_ =	sdelay $0x3  }
0x33: {  	p0 =	seq.s32 s10, $0x1;
	s10 =	sld [smem:$0x3FAB];
	_ =	sdelay $0x3  }
0x34: {  	[smem:$0x3FAB] =	sst s10  }
0x35: {  	s10 =	sld [smem:$0x3FAA];
	_ =	sdelay $0x3  }
0x36: {  	p1 =	seq.s32 s10, $0x1;
	s10 =	sld [smem:$0x3FAB];
	_ =	sdelay $0x3  }
0x37: {  	[smem:$0x3FAB] =	sst s10  }
0x38: {  	s10 =	sld [smem:$0x3FAC]  }
0x39: {  	_ = 	snop;
	(pc) =	sbr.ind lr, $3  }
0x3a: {  	_ = 	snop  }
0x3b: {  	_ = 	snop  }
0x3c: {  	p2 =	seq.s32 s10, $0x1;
	s10 =	sld [smem:$0x3FAB]  }
0x3d: {  	_ =	shalt  }
0x3e: {  	_ =	shalt  }
0x3f: {  	_ =	shalt  }
0x40: {  	_ =	shalt  }
0x41: {  	_ =	shalt  }
0x42: {  	_ =	shalt  }
0x43: {  	_ =	shalt  }
0x44: {  	_ =	shalt  }
0x45: {  	_ =	shalt  }
0x46: {  	_ =	shalt  }
0x47: {  	_ =	shalt  }
0x48: {  	_ =	shalt  }
0x49: {  	_ =	shalt  }
0x4a: {  	_ =	shalt  }
0x4b: {  	_ =	shalt  }
0x4c: {  	_ =	shalt  }
0x4d: {  	_ =	shalt  }
0x4e: {  	_ =	shalt  }
0x4f: {  	_ =	shalt  }
0x50: {  	_ =	shalt  }
0x51: {  	_ =	shalt  }
0x52: {  	_ =	shalt  }
0x53: {  	_ =	shalt  }
0x54: {  	_ =	shalt  }
0x55: {  	_ =	shalt  }
0x56: {  	_ =	shalt  }
0x57: {  	_ =	shalt  }
0x58: {  	_ =	shalt  }
0x59: {  	_ =	shalt  }
0x5a: {  	_ =	shalt  }
0x5b: {  	_ =	shalt  }
0x5c: {  	_ =	shalt  }
0x5d: {  	_ =	shalt  }
0x5e: {  	_ =	shalt  }
0x5f: {  	_ =	shalt  }
0x60: {  	_ =	shalt  }
0x61: {  	_ =	shalt  }
0x62: {  	_ =	shalt  }
0x63: {  	_ =	shalt  }
0x64: {  	_ =	shalt  }
0x65: {  	_ =	shalt  }
0x66: {  	_ =	shalt  }
0x67: {  	_ =	shalt  }
0x68: {  	_ =	shalt  }
0x69: {  	_ =	shalt  }
0x6a: {  	_ =	shalt  }
0x6b: {  	_ =	shalt  }
0x6c: {  	_ =	shalt  }
0x6d: {  	_ =	shalt  }
0x6e: {  	_ =	shalt  }
0x6f: {  	_ =	shalt  }
0x70: {  	_ =	shalt  }
0x71: {  	_ =	shalt  }
0x72: {  	_ =	shalt  }
0x73: {  	_ =	shalt  }
0x74: {  	_ =	shalt  }
0x75: {  	_ =	shalt  }
0x76: {  	_ =	shalt  }
0x77: {  	_ =	shalt  }
0x78: {  	_ =	shalt  }
0x79: {  	_ =	shalt  }
0x7a: {  	_ =	shalt  }
0x7b: {  	_ =	shalt  }
0x7c: {  	_ =	shalt  }
0x7d: {  	_ =	shalt  }
0x7e: {  	_ =	shalt  }
0x7f: {  	_ =	shalt  }
0x80: {  	_ =	shalt  }
0x81: {  	_ =	shalt  }
0x82: {  	_ =	shalt  }
0x83: {  	_ =	shalt  }
0x84: {  	_ =	shalt  }
0x85: {  	_ =	shalt  }
0x86: {  	_ =	shalt  }
0x87: {  	_ =	shalt  }
.Lfunc_end0:
.L_simem_size_0:
called_computation.1_lowered:
.L_overlay_start_0:
0x88: {  	s2 =	sld [smem:$0x3FD9]  }
0x89: {  	s3 =	sld [smem:$0x3FFE];
	_ =	sdelay $0x1  }
0x8a: {  	s1 =	srdreg.scid  }
0x8b: {  	s0 =	sand.u32 $0x1, s1  }
0x8c: {  	s17 =	sshll.u32 s0, $0xA;
	s2 =	sadd.s32 s3, s2  }
0x8d: {  	s2 =	sadd.s32 s2, s17  }
0x8e: {  	[smem:$0x3FB7] =	sst s2  }
0x8f: {  	_ = 	snop  }
0x90: {  	s2 =	sld [smem:$0x3FD0];
	(tm) =	ssettm $0x1  }
0x91: {  	s18 =	sld [smem:$0x3FFB];
	_ =	sdelay $0x3  }
0x92: {  	_ =	strace s18  }
0x93: {  	s3 =	sld [smem:$0x3FFC];
	_ =	sdelay $0x3  }
0x94: {  	_ =	strace s3  }
0x95: {  	s3 =	sld [smem:$0x3FFD];
	_ =	sdelay $0x3  }
0x96: {  	_ =	strace s3  }
0x97: {  	_ =	strace $0x8FFFFFFF  }
0x98: {  	s19 =	sld [smem:$0x3FDB];
	_ =	sdelay $0x1  }
0x99: {  	s4 =	simm.s32 $_scs_section_size  }
0x9a: {  	s5 =	simm.s32 $_size__tile_overlayer_lowered;
	s6 =	simm.s32 $_tile_overlayer_lowered  }
0x9b: {  	s22 =	simm.s32 $0x1BFF;
	s21 =	sshll.u32 s6, $0x1;
	s3 =	sadd.s32 s4, s19  }
0x9c: {  	s7 =	simm.s32 $0x0;
	s20 =	sshll.u32 s5, $0x1;
	s5 =	sadd.s32 s21, s3  }
0x9d: {  	[timem:s7], [sflag:s22] =	dma.local [hbm:s5], s20  }
0x9e: {  	_ =	swait.ge [sflag:s22], s20  }
0x9f: {  	s4 =	ssub.s32 $0x0, s20;
	[sflag:s22] =	ssyncset.done $0x0  }
0xa0: {  	[sflag:s22] =	ssyncadd.s32 s4;
	_ =	sdelay $0x1  }
0xa1: {  	s23 =	simm.s32 $0x1B8B  }
0xa2: {  	_ =	swait.ge [sflag:s23], $0x1  }
0xa3: {  	[sflag:s23] =	ssyncset.done $0x0  }
0xa4: {  	s25 =	simm.s32 $0x1B8E;
	s24 =	sld [smem:$0x3FFE];
	[sflag:s23] =	ssyncadd.s32 $0xFFFFFFFF  }
0xa5: {  	s26 =	simm.s32 $execute0_lowered;
	[smem:$0x3FD2] =	sst s25  }
0xa6: {  	s5 =	sshll.u32 s26, $0x1;
	_ =	strace $0x80000049;
	[dreg:$0x1] =	wrdreg $0xFFFFFFFF  }
0xa7: {  	s28 =	simm.s32 $_size_execute0_lowered;
	s3 =	sadd.s32 s3, s5;
	[dreg:$0x0] =	wrdreg $0x0  }
0xa8: {  	s5 =	sshll.u32 s28, $0x1;
	[dreg:$0x2] =	wrdreg s3  }
0xa9: {  	[dreg:$0x3] =	wrdreg s5  }
0xaa: {  	[dreg:$0x4] =	wrdreg $0xC0  }
0xab: {  	_ =	task [dreg:s7], $0x5FFFF  }
0xac: {  	[dreg:$0x1] =	wrdreg $0xFFFFFFFF  }
0xad: {  	[dreg:$0x0] =	wrdreg $0x60  }
0xae: {  	[dreg:$0x2] =	wrdreg s24  }
0xaf: {  	[dreg:$0x3] =	wrdreg s2  }
0xb0: {  	[dreg:$0x4] =	wrdreg $0x0  }
0xb1: {  	[dreg:$0x5] =	wrdreg $0x9  }
0xb2: {  	_ =	task.clear_ibuf [dreg:s7], $0x6FFFF;
	_ =	strace $0x90000049  }
0xb3: {  	s29 =	simm.s32 $0x9;
	_ =	strace $0x8000004B  }
0xb4: {  	_ =	swait.ge [sflag:s29], $0x1  }
0xb5: {  	[sflag:s29] =	ssyncadd.s32 $0xFFFFFFFF  }
0xb6: {  	_ =	strace $0x9000004B  }
0xb7: {  	_ =	sfence  }
0xb8: {  	s30 =	sld [smem:$0x0];
	_ =	sdelay $0x2  }
0xb9: {  	s31 =	sshll.u32 s1, $0xD;
	s1 =	sshrl.u32 s1, $0x2  }
0xba: {  	s3 =	sand.u32 $0x4000, s31;
	s1 =	sadd.s32 s1, s30  }
0xbb: {  	s0 =	sor.u32 s3, s0;
	s1 =	sshll.u32 s1, $0x11  }
0xbc: {  	s0 =	sor.u32 s1, s0  }
0xbd: {  	s0 =	sadd.s32 $0x8F2B, s0  }
0xbe: {  	[sflag:s0] =	ssyncadd.remote.s32 $0x1  }
0xbf: {  	_ =	sfence.sel $0xFFFF  }
0xc0: {  	[dreg:$0x0] =	wrdreg $0xFFFFFFFF;
	(pc) =	sbr.abs _section_cstart, $3  }
0xc1: {  	[dreg:$0x1] =	wrdreg $0xFFFFFFFF  }
0xc2: {  	_ =	task.clear_ibuf [dreg:s7], $0x2FFFF;
	_ =	strace $0x9FFFFFFF  }
0xc3: {  	(tm) =	ssettm $0x7FFFFFFF  }
tec
execute0_lowered:
.L_overlay_start_1:
0x0: {  	(tag) =	ssettag $0x1  }
0x1: {  	s0 =	srdreg.scid;
	s7 =	rddreg [dreg:$0x0]  }
0x2: {  	s28 =	stileid.u32;
	s2 =	rddreg [dreg:$0x1]  }
0x3: {  	s3 =	rddreg [dreg:$0x2];
	s4 =	simm.s32 $0x0;
	s14 =	simm.s32 $0x50  }
0x4: {  	s15 =	simm.s32 $0x18B00;
	s16 =	simm.s32 $0x13C50;
	s17 =	simm.s32 $0x1B300  }
0x5: {  	s18 =	simm.s32 $0x1;
	s19 =	simm.s32 $0x3;
	s20 =	simm.s32 $0x4  }
0x6: {  	s6 =	sand.u32 $0x1, s0;
	[smem:$0x7FF] =	sst s4;
	s10 =	smul.u32 $0x4F000, s28  }
0x7: {  	s31 =	sshll.u32 s28, $0x6;
	s22 =	smul.u32 $0x2780, s28;
	s1 =	sshll.u32 s6, $0x4  }
0x8: {  	s8 =	smul.u32 $0x27800, s6;
	_ =	strace $0x8000004A;
	s6 =	ssub.s32 $0x2, s6  }
0x9: {  	s1 =	sor.u32 s28, s1;
	s29 =	sshrl.u32 s6, $0x1;
	s30 =	sshrl.u32 s10, $0x2  }
0xa: {  	s5 =	smul.u32 $0x2710, s1;
	s11 =	sadd.s32 s8, s7;
	s12 =	ssub.s32 s6, s29  }
0xb: {  	s13 =	sadd.s32 s30, s3;
	s6 =	sor.u32 $0x1C05, s31;
	s21 =	sadd.s32 $0x40400, s11  }
0xc: {  	s10 =	sshrl.u32 s13, $0x3;
	s11 =	simm.s32 $0x5;
	s5 =	sshrl.u32 s5, $0x3  }
0xd: {  	s13 =	simm.s32 $0x16380;
	s21 =	sadd.s32 s22, s21;
	s9 =	sadd.s32 s5, s7  }
0xe: {  	s22 =	simm.s32 $0x0;
	s5 =	sadd.s32 $0x18400, s7;
	s7 =	sadd.s32 $0x4A00, s9  }
0xf: {  	s8 =	sadd.s32 $0xE640, s9;
	s9 =	smax.u32 s12, $0x1;
	s12 =	simm.s32 $0x13C00  }
.LBB2_1:
0x10: {  	[spmem:s10], [sflag:s6] =	dma.local [hbm:s2], $0x2780  }
0x11: {  	_ =	swait.ge [sflag:s11], $0x2780  }
0x12: {  	[sflag:s11] =	ssyncset.done $0x0  }
0x13: {  	[sflag:s11] =	ssyncadd.s32 $0xFFFFD880  }
0x14: {  	[tilespmem:s12], [sflag:$0x5] =	stream.linear.gather [hbm4b:s7+s4], $0x2710, $0x38;
	[tilespmem:$0x1DB00] =	vst v63  }
0x15: {  	_ =	swait.ge [sflag:s11], $0x2710  }
0x16: {  	[sflag:s11] =	ssyncset.done $0x0  }
0x17: {  	[sflag:s11] =	ssyncadd.s32 $0xFFFFD8F0  }
0x18: {  	[tilespmem:s13], [sflag:$0x5] =	stream.linear.gather [hbm4b:s8+s4], $0x2710, $0x38;
	[tilespmem:$0x1DB00] =	vst v63  }
0x19: {  	_ =	swait.ge [sflag:s11], $0x2710  }
0x1a: {  	[sflag:s11] =	ssyncset.done $0x0  }
0x1b: {  	[sflag:s11] =	ssyncadd.s32 $0xFFFFD8F0  }
0x1c: {  	[bflag:$0x0] =	sbarrier.arrive $0xFFFF  }
0x1d: {  	[tilespmem:s15], [sflag:$0x1] =	stream.indirect.gather [hbm4b:s5+s14], $0x80, s12, s14, $0xb8;
	[tilespmem:$0x1DB00] =	vst v63  }
0x1e: {  	_ = 	snop  }
0x1f: {  	[tilespmem:s17], [sflag:$0x2] =	stream.indirect.gather [hbm4b:s5+s14], $0x80, s16, s14, $0xb8;
	[tilespmem:$0x1DB00] =	vst v63  }
0x20: {  	s23 =	sand.u32 $0x1, s18;
	_ =	swait.ge [sflag:s18], $0x2800  }
0x21: {  	p0 =	seq.s32 s23, $0x1;
	[sflag:s18] =	ssyncset.done $0x0  }
0x22: {  	s23 =	simm.s32 @p0 $0x3;
	[sflag:s18] =	ssyncadd.s32 $0xFFFFD800  }
0x23: {  	[spmem:s3] =	stream.indirect.scatter.add.f32 [tilespmem:s15], [sflag:$0x3], $0x80, s13, s14, $0xb8;
	[tilespmem:$0x1DB00] =	vst v63  }
0x24: {  	s24 =	simm.s32 $0x13CA0;
	_ =	swait.ge @p0 [sflag:s23], $0x2800  }
0x25: {  	s26 =	simm.s32 @p0 $0x2;
	[sflag:s23] =	ssyncset.done @p0 $0x0;
	p0 =	por p0, p0  }
0x26: {  	[sflag:s23] =	ssyncadd.s32 @p0 $0xFFFFD800;
	s23 =	simm.s32 @p0 $0x50;
	s25 =	simm.s32 @p0 $0x18B00  }
0x27: {  	[tilespmem:s25], [sflag:$0x1] =	stream.indirect.gather @p0 [hbm4b:s5+s23], $0x80, s24, s23, $0xb8;
	[tilespmem:$0x1DB00] =	vst v63  }
0x28: {  	_ =	swait.ge @p0 [sflag:s26], $0x2800  }
0x29: {  	s30 =	simm.s32 $0x2;
	s28 =	simm.s32 @!p0 $0x4;
	[sflag:s26] =	ssyncset.done @p0 $0x0  }
0x2a: {  	s25 =	simm.s32 $0x163D0;
	[sflag:s26] =	ssyncadd.s32 @p0 $0xFFFFD800;
	s26 =	simm.s32 @p0 $0x1B300  }
0x2b: {  	[spmem:s3] =	stream.indirect.scatter.add.f32 @p0 [tilespmem:s26], [sflag:$0x4], $0x80, s25, s23, $0xb8;
	[tilespmem:$0x1DB00] =	vst v63  }
0x2c: {  	s30 =	sand.u32 $0x1, s30;
	_ =	swait.ge @!p0 [sflag:s28], $0x2800  }
0x2d: {  	p2 =	seq.s32 s30, $0x1;
	s29 =	simm.s32 @!p0 $0x1;
	[sflag:s28] =	ssyncset.done @!p0 $0x0  }
0x2e: {  	s31 =	simm.s32 @!p0 $0x1B300;
	[sflag:s28] =	ssyncadd.s32 @!p0 $0xFFFFD800;
	s28 =	simm.s32 @!p0 $0x50  }
0x2f: {  	[tilespmem:s31], [sflag:$0x2] =	stream.indirect.gather @!p0 [hbm4b:s5+s28], $0x80, s24, s28, $0xb8;
	[tilespmem:$0x1DB00] =	vst v63  }
0x30: {  	s30 =	simm.s32 @!p0 $0x18B00;
	s26 =	simm.s32 $0x3;
	_ =	swait.ge @!p0 [sflag:s29], $0x2800  }
0x31: {  	s23 =	simm.s32 $0x13CF0;
	s24 =	simm.s32 $0x16420;
	[sflag:s29] =	ssyncset.done @!p0 $0x0  }
.LBB2_2:
0x32: {  	s31 =	simm.s32 @p2 $0x3;
	[sflag:s29] =	ssyncadd.s32 @!p0 $0xFFFFD800  }
0x33: {  	s1 =	smov.u32 s26;
	s26 =	sadd.s32 $0x1, s26;
	s0 =	smov.u32 s23  }
0x34: {  	[spmem:s3] =	stream.indirect.scatter.add.f32 @!p0 [tilespmem:s30], [sflag:$0x3], $0x80, s25, s28, $0xb8;
	[tilespmem:$0x1DB00] =	vst v63  }
0x35: {  	p1 =	sne.s32 s26, $0x7C;
	s25 =	smov.u32 s24;
	_ =	swait.ge @p2 [sflag:s31], $0x2800  }
0x36: {  	s28 =	simm.s32 @p2 $0x2;
	p0 =	por p2, p2;
	[sflag:s31] =	ssyncset.done @p2 $0x0  }
0x37: {  	s29 =	simm.s32 @p0 $0x50;
	s30 =	simm.s32 @p0 $0x18B00;
	[sflag:s31] =	ssyncadd.s32 @p0 $0xFFFFD800  }
0x38: {  	[tilespmem:s30], [sflag:$0x1] =	stream.indirect.gather @p0 [hbm4b:s5+s29], $0x80, s23, s29, $0xb8;
	[tilespmem:$0x1DB00] =	vst v63  }
0x39: {  	_ =	swait.ge @p0 [sflag:s28], $0x2800  }
0x3a: {  	[sflag:s28] =	ssyncset.done @p0 $0x0  }
0x3b: {  	s30 =	simm.s32 @!p0 $0x4;
	[sflag:s28] =	ssyncadd.s32 @p0 $0xFFFFD800;
	s28 =	simm.s32 @p0 $0x1B300  }
0x3c: {  	[spmem:s3] =	stream.indirect.scatter.add.f32 @p0 [tilespmem:s28], [sflag:$0x4], $0x80, s24, s29, $0xb8;
	[tilespmem:$0x1DB00] =	vst v63  }
0x3d: {  	s23 =	sadd.s32 $0x50, s23;
	_ =	swait.ge @!p0 [sflag:s30], $0x2800  }
.Ltmp0:
0x3e: {  	s29 =	simm.s32 @!p0 $0x1;
	[sflag:s30] =	ssyncset.done @!p0 $0x0;
	(pc) =	sbr.rel @p1 .LBB2_2-.Ltmp0, $4  }
0x3f: {  	s28 =	simm.s32 @!p0 $0x50;
	[sflag:s30] =	ssyncadd.s32 @!p0 $0xFFFFD800;
	s30 =	simm.s32 @!p0 $0x1B300  }
0x40: {  	[tilespmem:s30], [sflag:$0x2] =	stream.indirect.gather @!p0 [hbm4b:s5+s28], $0x80, s0, s28, $0xb8;
	[tilespmem:$0x1DB00] =	vst v63  }
0x41: {  	s24 =	sadd.s32 $0x50, s24;
	s0 =	sand.u32 $0x1, s1;
	_ =	swait.ge @!p0 [sflag:s29], $0x2800  }
0x42: {  	s30 =	simm.s32 @!p0 $0x18B00;
	p2 =	seq.s32 s0, $0x1;
	[sflag:s29] =	ssyncset.done @!p0 $0x0  }
0x43: {  	s0 =	simm.s32 @p2 $0x3;
	[sflag:s29] =	ssyncadd.s32 @!p0 $0xFFFFD800  }
0x44: {  	[spmem:s3] =	stream.indirect.scatter.add.f32 @!p0 [tilespmem:s30], [sflag:$0x3], $0x80, s25, s28, $0xb8;
	[tilespmem:$0x1DB00] =	vst v63  }
0x45: {  	_ =	swait.ge @p2 [sflag:s0], $0x2800  }
0x46: {  	s1 =	simm.s32 @p2 $0x2;
	p0 =	por p2, p2;
	[sflag:s0] =	ssyncset.done @p2 $0x0  }
0x47: {  	s25 =	simm.s32 @p0 $0x18B00;
	[sflag:s0] =	ssyncadd.s32 @p0 $0xFFFFD800;
	s0 =	simm.s32 @p0 $0x50  }
0x48: {  	[tilespmem:s25], [sflag:$0x1] =	stream.indirect.gather @p0 [hbm4b:s5+s0], $0x80, s23, s0, $0xb8;
	[tilespmem:$0x1DB00] =	vst v63  }
0x49: {  	_ =	swait.ge @p0 [sflag:s1], $0x2800  }
0x4a: {  	[sflag:s1] =	ssyncset.done @p0 $0x0  }
0x4b: {  	s25 =	simm.s32 @!p0 $0x4;
	[sflag:s1] =	ssyncadd.s32 @p0 $0xFFFFD800;
	s1 =	simm.s32 @p0 $0x1B300  }
0x4c: {  	[spmem:s3] =	stream.indirect.scatter.add.f32 @p0 [tilespmem:s1], [sflag:$0x4], $0x80, s24, s0, $0xb8;
	[tilespmem:$0x1DB00] =	vst v63  }
0x4d: {  	_ =	swait.ge @!p0 [sflag:s25], $0x2800  }
0x4e: {  	s0 =	simm.s32 @!p0 $0x1;
	[sflag:s25] =	ssyncset.done @!p0 $0x0  }
0x4f: {  	s1 =	simm.s32 @!p0 $0x50;
	[sflag:s25] =	ssyncadd.s32 @!p0 $0xFFFFD800;
	s25 =	simm.s32 @!p0 $0x1B300  }
0x50: {  	[tilespmem:s25], [sflag:$0x2] =	stream.indirect.gather @!p0 [hbm4b:s5+s1], $0x80, s23, s1, $0xb8;
	[tilespmem:$0x1DB00] =	vst v63  }
0x51: {  	_ =	swait.ge @!p0 [sflag:s0], $0x2800  }
0x52: {  	[sflag:s0] =	ssyncset.done @!p0 $0x0  }
0x53: {  	s23 =	simm.s32 @!p0 $0x18B00;
	[sflag:s0] =	ssyncadd.s32 @!p0 $0xFFFFD800  }
0x54: {  	[spmem:s3] =	stream.indirect.scatter.add.f32 @!p0 [tilespmem:s23], [sflag:$0x3], $0x80, s24, s1, $0xb8;
	[tilespmem:$0x1DB00] =	vst v63  }
0x55: {  	_ =	swait.ge [sflag:s18], $0x2800  }
0x56: {  	[sflag:s18] =	ssyncset.done $0x0  }
0x57: {  	s31 =	sadd.s32 $0x50, s24;
	[sflag:s18] =	ssyncadd.s32 $0xFFFFD800  }
0x58: {  	[spmem:s3] =	stream.indirect.scatter.add.f32 [tilespmem:s15], [sflag:$0x3], $0x80, s31, s14, $0xb8;
	[tilespmem:$0x1DB00] =	vst v63  }
0x59: {  	_ =	swait.ge [sflag:s19], $0x2800  }
0x5a: {  	[sflag:s19] =	ssyncset.done $0x0  }
0x5b: {  	[sflag:s19] =	ssyncadd.s32 $0xFFFFD800  }
0x5c: {  	_ =	swait.ge [sflag:s20], $0x2800  }
0x5d: {  	s22 =	sadd.s32 $0x1, s22;
	[sflag:s20] =	ssyncset.done $0x0  }
0x5e: {  	p0 =	sne.s32 s22, s9;
	[sflag:s20] =	ssyncadd.s32 $0xFFFFD800  }
.Ltmp1:
0x5f: {  	[bflag:$0x0] =	sbarrier.arrive $0xFFFF;
	(pc) =	sbr.rel @p0 .LBB2_1-.Ltmp1, $4  }
0x60: {  	[hbm:s21], [sflag:s6] =	dma.local [spmem:s10], $0x2780  }
0x61: {  	_ =	swait.ge [sflag:s11], $0x2780  }
0x62: {  	[sflag:s11] =	ssyncset.done $0x0  }
0x63: {  	[sflag:s11] =	ssyncadd.s32 $0xFFFFD880  }
0x64: {  	_ =	sfence.sel $0x180000  }
0x65: {  	[bflag:$0x0] =	sbarrier.arrive $0xFFFF  }
0x66: {  	_ =	strace $0x9000004A  }
0x67: {  	s0 =	stileid.u32;
	[bflag:$0x2] =	sbarrier.arrive $0xFFFF  }
0x68: {  	p0 =	sne.s32 s0, $0x0;
	s0 =	rddreg [dreg:$0x3]  }
0x69: {  	s0 =	sadd.s32 @!p0 $0x100000, s0  }
0x6a: {  	[sflag:s0] =	ssyncadd.tile.s32 @!p0 $0x1;
	_ =	shalt  }
.Lfunc_end2:
_tile_overlayer_lowered:
.L_overlay_start_2:
0x6b: {  	(tag) =	ssettag $0x2  }
0x6c: {  	s0 =	rddreg [dreg:$0x0];
	s2 =	stileid.u32  }
0x6d: {  	s1 =	rddreg [dreg:$0x1];
	p0 =	sne.s32 s2, $0x0  }
0x6e: {  	s3 =	rddreg [dreg:$0x2];
	[bflag:$0x3] =	sbarrier.arrive $0xFFFF;
	s2 =	simm.s32 @!p0 $0x1C05  }
0x6f: {  	[timem:s3], [sflag:s2] =	dma.local @!p0 [hbm:s0], s1  }
0x70: {  	s0 =	simm.s32 @!p0 $0x5  }
0x71: {  	_ =	swait.ge @!p0 [sflag:s0], s1  }
0x72: {  	s1 =	ssub.s32 @!p0 $0x0, s1;
	[sflag:s0] =	ssyncset.done @!p0 $0x0  }
0x73: {  	[sflag:s0] =	ssyncadd.s32 @!p0 s1  }
0x74: {  	[bflag:$0x3] =	sbarrier.arrive $0xFFFF  }
0x75: {  	_ =	shalt  }

// kernel: kernel.14.cloned.1.call-start
scs
__scs_entry_jumppad:
0x0: {  	(pc) =	sbr.rel $0x88, $3  }
0x1: {  	(tag) =	ssettag $0x0;
	lr =	simm.s32 $0x1  }
0x2: {  	[smem:$0x3F90] =	sst lr;
	_ =	strace $0xD0000000  }
0x3: {  	_ = 	snop  }
0x4: {  	_ = 	snop  }
0x5: {  	_ = 	snop  }
0x6: {  	_ = 	snop  }
0x7: {  	_ = 	snop  }
__scs_overlays_trampoline_lowered:
0x8: {  	[smem:$0x3F9F] =	sst s0  }
0x9: {  	[smem:$0x3FA0] =	sst s1  }
0xa: {  	[smem:$0x3FA1] =	sst s2  }
0xb: {  	[smem:$0x3FA2] =	sst s3  }
0xc: {  	[smem:$0x3FA3] =	sst s4  }
0xd: {  	[smem:$0x3FA4] =	sst s5  }
0xe: {  	[smem:$0x3FA5] =	sst s6  }
0xf: {  	[smem:$0x3FA6] =	sst s7  }
0x10: {  	[smem:$0x3FA7] =	sst s8  }
0x11: {  	[smem:$0x3FA8] =	sst s9;
	s0 =	simm.s32 @!p0 $0x0  }
0x12: {  	s1 =	sld [smem:$0x3F8E];
	s0 =	simm.s32 @p0 $0x1  }
0x13: {  	[smem:$0x3FA9] =	sst s0;
	s0 =	simm.s32 @!p1 $0x0  }
0x14: {  	s2 =	sld [smem:$0x3F8D];
	s0 =	simm.s32 @p1 $0x1  }
0x15: {  	[smem:$0x3FAA] =	sst s0;
	s0 =	simm.s32 @!p2 $0x0  }
0x16: {  	s3 =	sld [smem:$0x3FDB];
	s0 =	simm.s32 @p2 $0x1  }
0x17: {  	s4 =	simm.s32 $0x1BF5;
	[smem:$0x3FAC] =	sst s0  }
0x18: {  	s0 =	sld [smem:$0x3F8F];
	_ =	swait.ge [sflag:s4], $0x0  }
0x19: {  	s7 =	sld [smem:$0x3F90]  }
0x1a: {  	s8 =	sadd.s32 $0xFFFFE003, lr  }
0x1b: {  	s9 =	sadd.s32 $0xFFFFFEF7, lr;
	s5 =	simm.s32 $0xFFFFFFFF;
	p2 =	slt.u32 s8, $0xFFFFF086  }
0x1c: {  	p1 =	slt.u32 s9, $0xF7A;
	s5 =	simm.s32 @!p2 $0x0  }
0x1d: {  	s5 =	simm.s32 @p1 $0x1;
	p0 =	seq.s32 s7, s2  }
0x1e: {  	s7 =	smul.u32 @!p0 $0xF7A, s2;
	p2 =	seq.s32 @!p0 s5, $0x0  }
0x1f: {  	s9 =	smul.u32 $0xF7A, s1;
	s8 =	simm.s32 @!p0 $0x1BF5;
	p2 =	por !p2, p0  }
0x20: {  	[sflag:s8] =	ssyncset.s32 @!p0 $0xFFFFF086;
	s6 =	sadd.s32 @!p0 s3, s7;
	s7 =	simm.s32 @!p0 $0x108  }
0x21: {  	s3 =	sadd.s32 s3, s9;
	s6 =	sadd.s32 @!p0 $0x88, s6;
	s7 =	simm.s32 @p2 $0x1082  }
0x22: {  	[simem:s7], [sflag:s8] =	dma.local @!p0 [hbm:s6], $0xF7A  }
0x23: {  	s9 =	sor.u32 $0xD0000000, s2;
	s6 =	simm.s32 $0x108;
	_ =	swait.ge @!p0 [sflag:s8], $0x0  }
0x24: {  	s3 =	sadd.s32 $0x88, s3;
	s6 =	simm.s32 @!p1 $0x1082;
	[sflag:s4] =	ssyncset.s32 $0xFFFFF086  }
0x25: {  	[simem:s6], [sflag:s4] =	dma.local [hbm:s3], $0xF7A  }
0x26: {  	[smem:$0x3F90] =	sst s1;
	(tag) =	ssettag s2;
	_ =	strace s9  }
0x27: {  	s1 =	sld [smem:$0x3FA0]  }
0x28: {  	s2 =	sld [smem:$0x3FA1]  }
0x29: {  	s4 =	sld [smem:$0x3FA3]  }
0x2a: {  	p0 =	seq.s32 s5, $0x0;
	s5 =	sld [smem:$0x3FA4]  }
0x2b: {  	s6 =	sld [smem:$0x3FA5]  }
0x2c: {  	s7 =	sld [smem:$0x3FA6]  }
0x2d: {  	s3 =	simm.s32 $0x108;
	s8 =	sld [smem:$0x3FA7]  }
0x2e: {  	s3 =	simm.s32 @!p0 $0x1082;
	s9 =	sld [smem:$0x3FA8]  }
0x2f: {  	lr =	sadd.s32 s0, s3;
	s0 =	sld [smem:$0x3F9F]  }
0x30: {  	s3 =	sld [smem:$0x3FA2]  }
0x31: {  	[smem:$0x3FAB] =	sst s10  }
0x32: {  	s10 =	sld [smem:$0x3FA9];
	_ =	sdelay $0x3  }
0x33: {  	p0 =	seq.s32 s10, $0x1;
	s10 =	sld [smem:$0x3FAB];
	_ =	sdelay $0x3  }
0x34: {  	[smem:$0x3FAB] =	sst s10  }
0x35: {  	s10 =	sld [smem:$0x3FAA];
	_ =	sdelay $0x3  }
0x36: {  	p1 =	seq.s32 s10, $0x1;
	s10 =	sld [smem:$0x3FAB];
	_ =	sdelay $0x3  }
0x37: {  	[smem:$0x3FAB] =	sst s10  }
0x38: {  	s10 =	sld [smem:$0x3FAC]  }
0x39: {  	_ = 	snop;
	(pc) =	sbr.ind lr, $3  }
0x3a: {  	_ = 	snop  }
0x3b: {  	_ = 	snop  }
0x3c: {  	p2 =	seq.s32 s10, $0x1;
	s10 =	sld [smem:$0x3FAB]  }
0x3d: {  	_ =	shalt  }
0x3e: {  	_ =	shalt  }
0x3f: {  	_ =	shalt  }
0x40: {  	_ =	shalt  }
0x41: {  	_ =	shalt  }
0x42: {  	_ =	shalt  }
0x43: {  	_ =	shalt  }
0x44: {  	_ =	shalt  }
0x45: {  	_ =	shalt  }
0x46: {  	_ =	shalt  }
0x47: {  	_ =	shalt  }
0x48: {  	_ =	shalt  }
0x49: {  	_ =	shalt  }
0x4a: {  	_ =	shalt  }
0x4b: {  	_ =	shalt  }
0x4c: {  	_ =	shalt  }
0x4d: {  	_ =	shalt  }
0x4e: {  	_ =	shalt  }
0x4f: {  	_ =	shalt  }
0x50: {  	_ =	shalt  }
0x51: {  	_ =	shalt  }
0x52: {  	_ =	shalt  }
0x53: {  	_ =	shalt  }
0x54: {  	_ =	shalt  }
0x55: {  	_ =	shalt  }
0x56: {  	_ =	shalt  }
0x57: {  	_ =	shalt  }
0x58: {  	_ =	shalt  }
0x59: {  	_ =	shalt  }
0x5a: {  	_ =	shalt  }
0x5b: {  	_ =	shalt  }
0x5c: {  	_ =	shalt  }
0x5d: {  	_ =	shalt  }
0x5e: {  	_ =	shalt  }
0x5f: {  	_ =	shalt  }
0x60: {  	_ =	shalt  }
0x61: {  	_ =	shalt  }
0x62: {  	_ =	shalt  }
0x63: {  	_ =	shalt  }
0x64: {  	_ =	shalt  }
0x65: {  	_ =	shalt  }
0x66: {  	_ =	shalt  }
0x67: {  	_ =	shalt  }
0x68: {  	_ =	shalt  }
0x69: {  	_ =	shalt  }
0x6a: {  	_ =	shalt  }
0x6b: {  	_ =	shalt  }
0x6c: {  	_ =	shalt  }
0x6d: {  	_ =	shalt  }
0x6e: {  	_ =	shalt  }
0x6f: {  	_ =	shalt  }
0x70: {  	_ =	shalt  }
0x71: {  	_ =	shalt  }
0x72: {  	_ =	shalt  }
0x73: {  	_ =	shalt  }
0x74: {  	_ =	shalt  }
0x75: {  	_ =	shalt  }
0x76: {  	_ =	shalt  }
0x77: {  	_ =	shalt  }
0x78: {  	_ =	shalt  }
0x79: {  	_ =	shalt  }
0x7a: {  	_ =	shalt  }
0x7b: {  	_ =	shalt  }
0x7c: {  	_ =	shalt  }
0x7d: {  	_ =	shalt  }
0x7e: {  	_ =	shalt  }
0x7f: {  	_ =	shalt  }
0x80: {  	_ =	shalt  }
0x81: {  	_ =	shalt  }
0x82: {  	_ =	shalt  }
0x83: {  	_ =	shalt  }
0x84: {  	_ =	shalt  }
0x85: {  	_ =	shalt  }
0x86: {  	_ =	shalt  }
0x87: {  	_ =	shalt  }
.Lfunc_end0:
.L_simem_size_0:
called_computation.2_lowered:
.L_overlay_start_0:
0x88: {  	s2 =	sld [smem:$0x3FD9]  }
0x89: {  	s3 =	sld [smem:$0x3FFE];
	_ =	sdelay $0x1  }
0x8a: {  	s1 =	srdreg.scid  }
0x8b: {  	s0 =	sand.u32 $0x1, s1  }
0x8c: {  	s17 =	sshll.u32 s0, $0xA;
	s2 =	sadd.s32 s3, s2  }
0x8d: {  	s2 =	sadd.s32 s2, s17  }
0x8e: {  	[smem:$0x3FB7] =	sst s2  }
0x8f: {  	_ = 	snop  }
0x90: {  	s2 =	sld [smem:$0x3FD0];
	(tm) =	ssettm $0x1  }
0x91: {  	s18 =	sld [smem:$0x3FFB];
	_ =	sdelay $0x3  }
0x92: {  	_ =	strace s18  }
0x93: {  	s3 =	sld [smem:$0x3FFC];
	_ =	sdelay $0x3  }
0x94: {  	_ =	strace s3  }
0x95: {  	s3 =	sld [smem:$0x3FFD];
	_ =	sdelay $0x3  }
0x96: {  	_ =	strace s3  }
0x97: {  	_ =	strace $0x8FFFFFFF  }
0x98: {  	s19 =	sld [smem:$0x3FDB];
	_ =	sdelay $0x1  }
0x99: {  	s4 =	simm.s32 $_scs_section_size  }
0x9a: {  	s5 =	simm.s32 $_size__tile_overlayer_lowered;
	s6 =	simm.s32 $_tile_overlayer_lowered  }
0x9b: {  	s22 =	simm.s32 $0x1BFF;
	s21 =	sshll.u32 s6, $0x1;
	s3 =	sadd.s32 s4, s19  }
0x9c: {  	s7 =	simm.s32 $0x0;
	s20 =	sshll.u32 s5, $0x1;
	s5 =	sadd.s32 s21, s3  }
0x9d: {  	[timem:s7], [sflag:s22] =	dma.local [hbm:s5], s20  }
0x9e: {  	_ =	swait.ge [sflag:s22], s20  }
0x9f: {  	s4 =	ssub.s32 $0x0, s20;
	[sflag:s22] =	ssyncset.done $0x0  }
0xa0: {  	[sflag:s22] =	ssyncadd.s32 s4;
	_ =	sdelay $0x1  }
0xa1: {  	s23 =	simm.s32 $0x1B8B  }
0xa2: {  	_ =	swait.ge [sflag:s23], $0x1  }
0xa3: {  	[sflag:s23] =	ssyncset.done $0x0  }
0xa4: {  	s25 =	simm.s32 $0x1B8E;
	s24 =	sld [smem:$0x3FFE];
	[sflag:s23] =	ssyncadd.s32 $0xFFFFFFFF  }
0xa5: {  	s26 =	simm.s32 $execute0_lowered;
	[smem:$0x3FD2] =	sst s25  }
0xa6: {  	s5 =	sshll.u32 s26, $0x1;
	_ =	strace $0x8000004C;
	[dreg:$0x1] =	wrdreg $0xFFFFFFFF  }
0xa7: {  	s28 =	simm.s32 $_size_execute0_lowered;
	s3 =	sadd.s32 s3, s5;
	[dreg:$0x0] =	wrdreg $0x0  }
0xa8: {  	s5 =	sshll.u32 s28, $0x1;
	[dreg:$0x2] =	wrdreg s3  }
0xa9: {  	[dreg:$0x3] =	wrdreg s5  }
0xaa: {  	[dreg:$0x4] =	wrdreg $0xC0  }
0xab: {  	_ =	task [dreg:s7], $0x5FFFF  }
0xac: {  	[dreg:$0x1] =	wrdreg $0xFFFFFFFF  }
0xad: {  	[dreg:$0x0] =	wrdreg $0x60  }
0xae: {  	[dreg:$0x2] =	wrdreg s24  }
0xaf: {  	[dreg:$0x3] =	wrdreg s2  }
0xb0: {  	[dreg:$0x4] =	wrdreg $0x9  }
0xb1: {  	_ =	task.clear_ibuf [dreg:s7], $0x5FFFF;
	_ =	strace $0x9000004C  }
0xb2: {  	s29 =	simm.s32 $0x9;
	_ =	strace $0x8000004E  }
0xb3: {  	_ =	swait.ge [sflag:s29], $0x1  }
0xb4: {  	[sflag:s29] =	ssyncadd.s32 $0xFFFFFFFF  }
0xb5: {  	_ =	strace $0x9000004E  }
0xb6: {  	_ =	sfence  }
0xb7: {  	s30 =	sld [smem:$0x0];
	_ =	sdelay $0x2  }
0xb8: {  	s31 =	sshll.u32 s1, $0xD;
	s1 =	sshrl.u32 s1, $0x2  }
0xb9: {  	s3 =	sand.u32 $0x4000, s31;
	s1 =	sadd.s32 s1, s30  }
0xba: {  	s0 =	sor.u32 s3, s0;
	s1 =	sshll.u32 s1, $0x11  }
0xbb: {  	s0 =	sor.u32 s1, s0  }
0xbc: {  	s0 =	sadd.s32 $0x8F2B, s0  }
0xbd: {  	[sflag:s0] =	ssyncadd.remote.s32 $0x1  }
0xbe: {  	_ =	sfence.sel $0xFFFF  }
0xbf: {  	[dreg:$0x0] =	wrdreg $0xFFFFFFFF;
	(pc) =	sbr.abs _section_cstart, $3  }
0xc0: {  	[dreg:$0x1] =	wrdreg $0xFFFFFFFF  }
0xc1: {  	_ =	task.clear_ibuf [dreg:s7], $0x2FFFF;
	_ =	strace $0x9FFFFFFF  }
0xc2: {  	(tm) =	ssettm $0x7FFFFFFF  }
0xc3: {  	_ =	shalt  }
tec
execute0_lowered:
.L_overlay_start_1:
0x0: {  	(tag) =	ssettag $0x1  }
0x1: {  	s5 =	rddreg [dreg:$0x0]  }
0x2: {  	s0 =	srdreg.scid;
	s2 =	rddreg [dreg:$0x1]  }
0x3: {  	s3 =	simm.s32 $0x0;
	s11 =	simm.s32 $0x2800;
	s4 =	sand.u32 $0x1, s0  }
0x4: {  	s12 =	simm.s32 $0x5000;
	s0 =	stileid.u32;
	s1 =	sshll.u32 s4, $0x4  }
0x5: {  	s13 =	simm.s32 $0x7780;
	s14 =	simm.s32 $0x9F00;
	s6 =	sor.u32 s0, s1  }
0x6: {  	s15 =	simm.s32 $0xC680;
	s16 =	simm.s32 $0x0;
	s6 =	smul.u32 $0x2710, s6  }
0x7: {  	[smem:$0x7FF] =	sst s3;
	s7 =	ssub.s32 $0x2, s4;
	s4 =	sadd.s32 $0x18400, s5  }
0x8: {  	s1 =	rddreg [dreg:$0x2];
	s8 =	sshrl.u32 s7, $0x1;
	s6 =	sshrl.u32 s6, $0x3  }
0x9: {  	_ =	strace $0x8000004D;
	s10 =	ssub.s32 s7, s8;
	s9 =	sadd.s32 s6, s5  }
0xa: {  	s5 =	sadd.s32 $0x4A00, s9;
	s6 =	sadd.s32 $0xE640, s9;
	s7 =	sadd.s32 $0x8F400, s9  }
0xb: {  	s8 =	sadd.s32 $0x18A00, s9;
	s9 =	smax.u32 s10, $0x1;
	s10 =	simm.s32 $0x1  }
.LBB2_1:
0xc: {  	[tilespmem:s3], [sflag:$0x1] =	stream.linear.gather [hbm4b:s2+s3], $0x2800, $0x38;
	[tilespmem:$0xEE00] =	vst v63  }
0xd: {  	_ =	swait.ge [sflag:s10], $0x2800  }
0xe: {  	[sflag:s10] =	ssyncset.done $0x0  }
0xf: {  	[sflag:s10] =	ssyncadd.s32 $0xFFFFD800  }
0x10: {  	[tilespmem:s11], [sflag:$0x1] =	stream.linear.gather [hbm4b:s4+s3], $0x2800, $0x38;
	[tilespmem:$0xEE00] =	vst v63  }
0x11: {  	_ =	swait.ge [sflag:s10], $0x2800  }
0x12: {  	[sflag:s10] =	ssyncset.done $0x0  }
0x13: {  	[sflag:s10] =	ssyncadd.s32 $0xFFFFD800  }
0x14: {  	[tilespmem:s12], [sflag:$0x1] =	stream.linear.gather [hbm4b:s5+s3], $0x2710, $0x38;
	[tilespmem:$0xEE00] =	vst v63  }
0x15: {  	_ =	swait.ge [sflag:s10], $0x2710  }
0x16: {  	[sflag:s10] =	ssyncset.done $0x0  }
0x17: {  	[sflag:s10] =	ssyncadd.s32 $0xFFFFD8F0  }
0x18: {  	[tilespmem:s13], [sflag:$0x1] =	stream.linear.gather [hbm4b:s6+s3], $0x2710, $0x38;
	[tilespmem:$0xEE00] =	vst v63  }
0x19: {  	_ =	swait.ge [sflag:s10], $0x2710  }
0x1a: {  	[sflag:s10] =	ssyncset.done $0x0  }
0x1b: {  	[sflag:s10] =	ssyncadd.s32 $0xFFFFD8F0  }
0x1c: {  	[tilespmem:s14], [sflag:$0x1] =	stream.linear.gather [hbm4b:s7+s3], $0x2710, $0x38;
	[tilespmem:$0xEE00] =	vst v63  }
0x1d: {  	s17 =	simm.s32 $0xFFFFFFFC;
	_ =	swait.ge [sflag:s10], $0x2710  }
0x1e: {  	s18 =	simm.s32 $0xC6A0;
	s19 =	simm.s32 $0x9F20;
	[sflag:s10] =	ssyncset.done $0x0  }
0x1f: {  	s20 =	simm.s32 $0x77A0;
	s21 =	simm.s32 $0x5020;
	[sflag:s10] =	ssyncadd.s32 $0xFFFFD8F0  }
.LBB2_2:
0x20: {  	v0 =	vld [tilespmem:s21+$0xFFFFFFE0]  }
0x21: {  	v1 =	vld [tilespmem:s20+$0xFFFFFFE0];
	_ =	sdelay $0x6  }
0x22: {  	v0 =	vld.idx.msk [tilespmem:v0+s3+$0x0], $0xffff  }
0x23: {  	v1 =	vld.idx.msk [tilespmem:v1+s11+$0x0], $0xffff;
	_ =	sdelay $0x1  }
0x24: {  	v2 =	vld [tilespmem:s19+$0xFFFFFFE0];
	_ =	sdelay $0x2  }
0x25: {  	v0 =	vadd.f32 v1, v0;
	_ =	sdelay $0x1  }
0x26: {  	v0 =	vadd.f32 v2, v0;
	_ =	sdelay $0x1  }
0x27: {  	[tilespmem:s18+$0xFFFFFFE0] =	vst v0  }
0x28: {  	v0 =	vld [tilespmem:s21+$0xFFFFFFF0]  }
0x29: {  	v58 =	vld [tilespmem:s20+$0xFFFFFFF0];
	_ =	sdelay $0x6  }
0x2a: {  	v0 =	vld.idx.msk [tilespmem:v0+s3+$0x0], $0xffff  }
0x2b: {  	v1 =	vld.idx.msk [tilespmem:v58+s11+$0x0], $0xffff;
	_ =	sdelay $0x1  }
0x2c: {  	v59 =	vld [tilespmem:s19+$0xFFFFFFF0];
	_ =	sdelay $0x2  }
0x2d: {  	v0 =	vadd.f32 v1, v0;
	_ =	sdelay $0x1  }
0x2e: {  	v0 =	vadd.f32 v59, v0;
	_ =	sdelay $0x1  }
0x2f: {  	[tilespmem:s18+$0xFFFFFFF0] =	vst v0  }
0x30: {  	v0 =	vld [tilespmem:s21+$0x0]  }
0x31: {  	v60 =	vld [tilespmem:s20+$0x0];
	_ =	sdelay $0x6  }
0x32: {  	v0 =	vld.idx.msk [tilespmem:v0+s3+$0x0], $0xffff  }
0x33: {  	v1 =	vld.idx.msk [tilespmem:v60+s11+$0x0], $0xffff;
	_ =	sdelay $0x1  }
0x34: {  	v61 =	vld [tilespmem:s19+$0x0];
	_ =	sdelay $0x2  }
0x35: {  	v0 =	vadd.f32 v1, v0;
	_ =	sdelay $0x1  }
0x36: {  	v0 =	vadd.f32 v61, v0;
	_ =	sdelay $0x1  }
0x37: {  	[tilespmem:s18+$0x0] =	vst v0  }
0x38: {  	v0 =	vld [tilespmem:s21+$0x10]  }
0x39: {  	v62 =	vld [tilespmem:s20+$0x10];
	_ =	sdelay $0x6  }
0x3a: {  	v0 =	vld.idx.msk [tilespmem:v0+s3+$0x0], $0xffff  }
0x3b: {  	v1 =	vld.idx.msk [tilespmem:v62+s11+$0x0], $0xffff;
	_ =	sdelay $0x1  }
0x3c: {  	v63 =	vld [tilespmem:s19+$0x10]  }
0x3d: {  	s17 =	sadd.s32 $0x4, s17  }
0x3e: {  	p0 =	slt.u32 s17, $0x26C  }
.Ltmp0:
0x3f: {  	v0 =	vadd.f32 v1, v0;
	(pc) =	sbr.rel @p0 .LBB2_2-.Ltmp0, $4  }
0x40: {  	_ = 	snop  }
0x41: {  	v0 =	vadd.f32 v63, v0  }
0x42: {  	s19 =	sadd.s32 $0x40, s19  }
0x43: {  	s20 =	sadd.s32 $0x40, s20;
	s21 =	sadd.s32 $0x40, s21;
	[tilespmem:s18+$0x10] =	vst v0;
	s18 =	sadd.s32 $0x40, s18  }
0x44: {  	v0 =	vld [tilespmem:$0x7700]  }
0x45: {  	v1 =	vld [tilespmem:$0x9E80];
	_ =	sdelay $0x6  }
0x46: {  	v0 =	vld.idx.msk [tilespmem:v0+s3+$0x0], $0xffff  }
0x47: {  	v1 =	vld.idx.msk [tilespmem:v1+s11+$0x0], $0xffff;
	_ =	sdelay $0x1  }
0x48: {  	v2 =	vld [tilespmem:$0xC600];
	_ =	sdelay $0x2  }
0x49: {  	v0 =	vadd.f32 v1, v0;
	_ =	sdelay $0x1  }
0x4a: {  	s16 =	sadd.s32 $0x1, s16;
	v0 =	vadd.f32 v2, v0  }
0x4b: {  	p0 =	sne.s32 s16, s9  }
.Ltmp1:
0x4c: {  	[tilespmem:$0xED80] =	vst v0;
	(pc) =	sbr.rel @p0 .LBB2_1-.Ltmp1, $4  }
0x4d: {  	[hbm4b:s8+s3] =	stream.linear.scatter [tilespmem:s15], [sflag:$0x1], $0x2710, $0x38;
	[tilespmem:$0xEE00] =	vst v63  }
0x4e: {  	_ =	swait.ge [sflag:s10], $0x2710  }
0x4f: {  	[sflag:s10] =	ssyncset.done $0x0  }
0x50: {  	[sflag:s10] =	ssyncadd.s32 $0xFFFFD8F0  }
0x51: {  	_ =	sfence.sel $0x180000  }
0x52: {  	[bflag:$0x0] =	sbarrier.arrive $0xFFFF  }
0x53: {  	p0 =	sne.s32 s0, $0x0;
	_ =	strace $0x9000004D  }
0x54: {  	s0 =	sadd.s32 @!p0 $0x100000, s1;
	[bflag:$0x2] =	sbarrier.arrive $0xFFFF  }
0x55: {  	[sflag:s0] =	ssyncadd.tile.s32 @!p0 $0x1;
	_ =	shalt  }
.Lfunc_end2:
_tile_overlayer_lowered:
.L_overlay_start_2:
0x56: {  	(tag) =	ssettag $0x2  }
0x57: {  	s0 =	rddreg [dreg:$0x0];
	s2 =	stileid.u32  }
0x58: {  	s1 =	rddreg [dreg:$0x1];
	p0 =	sne.s32 s2, $0x0  }
0x59: {  	s3 =	rddreg [dreg:$0x2];
	[bflag:$0x3] =	sbarrier.arrive $0xFFFF;
	s2 =	simm.s32 @!p0 $0x1C01  }
0x5a: {  	[timem:s3], [sflag:s2] =	dma.local @!p0 [hbm:s0], s1  }
0x5b: {  	s0 =	simm.s32 @!p0 $0x1  }
0x5c: {  	_ =	swait.ge @!p0 [sflag:s0], s1  }
0x5d: {  	s1 =	ssub.s32 @!p0 $0x0, s1;
	[sflag:s0] =	ssyncset.done @!p0 $0x0  }
0x5e: {  	[sflag:s0] =	ssyncadd.s32 @!p0 s1  }
0x5f: {  	[bflag:$0x3] =	sbarrier.arrive $0xFFFF  }
0x60: {  	_ =	shalt  }

// kernel: kernel.8.cloned.1.call-start
scs
__scs_entry_jumppad:
0x0: {  	(pc) =	sbr.rel $0x88, $3  }
0x1: {  	(tag) =	ssettag $0x0;
	lr =	simm.s32 $0x1  }
0x2: {  	[smem:$0x3F90] =	sst lr;
	_ =	strace $0xD0000000  }
0x3: {  	_ = 	snop  }
0x4: {  	_ = 	snop  }
0x5: {  	_ = 	snop  }
0x6: {  	_ = 	snop  }
0x7: {  	_ = 	snop  }
__scs_overlays_trampoline_lowered:
0x8: {  	[smem:$0x3F9F] =	sst s0  }
0x9: {  	[smem:$0x3FA0] =	sst s1  }
0xa: {  	[smem:$0x3FA1] =	sst s2  }
0xb: {  	[smem:$0x3FA2] =	sst s3  }
0xc: {  	[smem:$0x3FA3] =	sst s4  }
0xd: {  	[smem:$0x3FA4] =	sst s5  }
0xe: {  	[smem:$0x3FA5] =	sst s6  }
0xf: {  	[smem:$0x3FA6] =	sst s7  }
0x10: {  	[smem:$0x3FA7] =	sst s8  }
0x11: {  	[smem:$0x3FA8] =	sst s9;
	s0 =	simm.s32 @!p0 $0x0  }
0x12: {  	s1 =	sld [smem:$0x3F8E];
	s0 =	simm.s32 @p0 $0x1  }
0x13: {  	[smem:$0x3FA9] =	sst s0;
	s0 =	simm.s32 @!p1 $0x0  }
0x14: {  	s2 =	sld [smem:$0x3F8D];
	s0 =	simm.s32 @p1 $0x1  }
0x15: {  	[smem:$0x3FAA] =	sst s0;
	s0 =	simm.s32 @!p2 $0x0  }
0x16: {  	s3 =	sld [smem:$0x3FDB];
	s0 =	simm.s32 @p2 $0x1  }
0x17: {  	s4 =	simm.s32 $0x1BF5;
	[smem:$0x3FAC] =	sst s0  }
0x18: {  	s0 =	sld [smem:$0x3F8F];
	_ =	swait.ge [sflag:s4], $0x0  }
0x19: {  	s7 =	sld [smem:$0x3F90]  }
0x1a: {  	s8 =	sadd.s32 $0xFFFFE003, lr  }
0x1b: {  	s9 =	sadd.s32 $0xFFFFFEF7, lr;
	s5 =	simm.s32 $0xFFFFFFFF;
	p2 =	slt.u32 s8, $0xFFFFF086  }
0x1c: {  	p1 =	slt.u32 s9, $0xF7A;
	s5 =	simm.s32 @!p2 $0x0  }
0x1d: {  	s5 =	simm.s32 @p1 $0x1;
	p0 =	seq.s32 s7, s2  }
0x1e: {  	s7 =	smul.u32 @!p0 $0xF7A, s2;
	p2 =	seq.s32 @!p0 s5, $0x0  }
0x1f: {  	s9 =	smul.u32 $0xF7A, s1;
	s8 =	simm.s32 @!p0 $0x1BF5;
	p2 =	por !p2, p0  }
0x20: {  	[sflag:s8] =	ssyncset.s32 @!p0 $0xFFFFF086;
	s6 =	sadd.s32 @!p0 s3, s7;
	s7 =	simm.s32 @!p0 $0x108  }
0x21: {  	s3 =	sadd.s32 s3, s9;
	s6 =	sadd.s32 @!p0 $0x88, s6;
	s7 =	simm.s32 @p2 $0x1082  }
0x22: {  	[simem:s7], [sflag:s8] =	dma.local @!p0 [hbm:s6], $0xF7A  }
0x23: {  	s9 =	sor.u32 $0xD0000000, s2;
	s6 =	simm.s32 $0x108;
	_ =	swait.ge @!p0 [sflag:s8], $0x0  }
0x24: {  	s3 =	sadd.s32 $0x88, s3;
	s6 =	simm.s32 @!p1 $0x1082;
	[sflag:s4] =	ssyncset.s32 $0xFFFFF086  }
0x25: {  	[simem:s6], [sflag:s4] =	dma.local [hbm:s3], $0xF7A  }
0x26: {  	[smem:$0x3F90] =	sst s1;
	(tag) =	ssettag s2;
	_ =	strace s9  }
0x27: {  	s1 =	sld [smem:$0x3FA0]  }
0x28: {  	s2 =	sld [smem:$0x3FA1]  }
0x29: {  	s4 =	sld [smem:$0x3FA3]  }
0x2a: {  	p0 =	seq.s32 s5, $0x0;
	s5 =	sld [smem:$0x3FA4]  }
0x2b: {  	s6 =	sld [smem:$0x3FA5]  }
0x2c: {  	s7 =	sld [smem:$0x3FA6]  }
0x2d: {  	s3 =	simm.s32 $0x108;
	s8 =	sld [smem:$0x3FA7]  }
0x2e: {  	s3 =	simm.s32 @!p0 $0x1082;
	s9 =	sld [smem:$0x3FA8]  }
0x2f: {  	lr =	sadd.s32 s0, s3;
	s0 =	sld [smem:$0x3F9F]  }
0x30: {  	s3 =	sld [smem:$0x3FA2]  }
0x31: {  	[smem:$0x3FAB] =	sst s10  }
0x32: {  	s10 =	sld [smem:$0x3FA9];
	_ =	sdelay $0x3  }
0x33: {  	p0 =	seq.s32 s10, $0x1;
	s10 =	sld [smem:$0x3FAB];
	_ =	sdelay $0x3  }
0x34: {  	[smem:$0x3FAB] =	sst s10  }
0x35: {  	s10 =	sld [smem:$0x3FAA];
	_ =	sdelay $0x3  }
0x36: {  	p1 =	seq.s32 s10, $0x1;
	s10 =	sld [smem:$0x3FAB];
	_ =	sdelay $0x3  }
0x37: {  	[smem:$0x3FAB] =	sst s10  }
0x38: {  	s10 =	sld [smem:$0x3FAC]  }
0x39: {  	_ = 	snop;
	(pc) =	sbr.ind lr, $3  }
0x3a: {  	_ = 	snop  }
0x3b: {  	_ = 	snop  }
0x3c: {  	p2 =	seq.s32 s10, $0x1;
	s10 =	sld [smem:$0x3FAB]  }
0x3d: {  	_ =	shalt  }
0x3e: {  	_ =	shalt  }
0x3f: {  	_ =	shalt  }
0x40: {  	_ =	shalt  }
0x41: {  	_ =	shalt  }
0x42: {  	_ =	shalt  }
0x43: {  	_ =	shalt  }
0x44: {  	_ =	shalt  }
0x45: {  	_ =	shalt  }
0x46: {  	_ =	shalt  }
0x47: {  	_ =	shalt  }
0x48: {  	_ =	shalt  }
0x49: {  	_ =	shalt  }
0x4a: {  	_ =	shalt  }
0x4b: {  	_ =	shalt  }
0x4c: {  	_ =	shalt  }
0x4d: {  	_ =	shalt  }
0x4e: {  	_ =	shalt  }
0x4f: {  	_ =	shalt  }
0x50: {  	_ =	shalt  }
0x51: {  	_ =	shalt  }
0x52: {  	_ =	shalt  }
0x53: {  	_ =	shalt  }
0x54: {  	_ =	shalt  }
0x55: {  	_ =	shalt  }
0x56: {  	_ =	shalt  }
0x57: {  	_ =	shalt  }
0x58: {  	_ =	shalt  }
0x59: {  	_ =	shalt  }
0x5a: {  	_ =	shalt  }
0x5b: {  	_ =	shalt  }
0x5c: {  	_ =	shalt  }
0x5d: {  	_ =	shalt  }
0x5e: {  	_ =	shalt  }
0x5f: {  	_ =	shalt  }
0x60: {  	_ =	shalt  }
0x61: {  	_ =	shalt  }
0x62: {  	_ =	shalt  }
0x63: {  	_ =	shalt  }
0x64: {  	_ =	shalt  }
0x65: {  	_ =	shalt  }
0x66: {  	_ =	shalt  }
0x67: {  	_ =	shalt  }
0x68: {  	_ =	shalt  }
0x69: {  	_ =	shalt  }
0x6a: {  	_ =	shalt  }
0x6b: {  	_ =	shalt  }
0x6c: {  	_ =	shalt  }
0x6d: {  	_ =	shalt  }
0x6e: {  	_ =	shalt  }
0x6f: {  	_ =	shalt  }
0x70: {  	_ =	shalt  }
0x71: {  	_ =	shalt  }
0x72: {  	_ =	shalt  }
0x73: {  	_ =	shalt  }
0x74: {  	_ =	shalt  }
0x75: {  	_ =	shalt  }
0x76: {  	_ =	shalt  }
0x77: {  	_ =	shalt  }
0x78: {  	_ =	shalt  }
0x79: {  	_ =	shalt  }
0x7a: {  	_ =	shalt  }
0x7b: {  	_ =	shalt  }
0x7c: {  	_ =	shalt  }
0x7d: {  	_ =	shalt  }
0x7e: {  	_ =	shalt  }
0x7f: {  	_ =	shalt  }
0x80: {  	_ =	shalt  }
0x81: {  	_ =	shalt  }
0x82: {  	_ =	shalt  }
0x83: {  	_ =	shalt  }
0x84: {  	_ =	shalt  }
0x85: {  	_ =	shalt  }
0x86: {  	_ =	shalt  }
0x87: {  	_ =	shalt  }
.Lfunc_end0:
.L_simem_size_0:
called_computation_lowered:
.L_overlay_start_0:
0x88: {  	s2 =	sld [smem:$0x3FD9]  }
0x89: {  	s3 =	sld [smem:$0x3FFE];
	_ =	sdelay $0x1  }
0x8a: {  	s1 =	srdreg.scid  }
0x8b: {  	s0 =	sand.u32 $0x1, s1  }
0x8c: {  	s16 =	sshll.u32 s0, $0xA;
	s2 =	sadd.s32 s3, s2  }
0x8d: {  	s2 =	sadd.s32 s2, s16  }
0x8e: {  	[smem:$0x3FB7] =	sst s2  }
0x8f: {  	_ = 	snop  }
0x90: {  	(tm) =	ssettm $0x1  }
0x91: {  	s17 =	sld [smem:$0x3FFB];
	_ =	sdelay $0x3  }
0x92: {  	_ =	strace s17  }
0x93: {  	s2 =	sld [smem:$0x3FFC];
	_ =	sdelay $0x3  }
0x94: {  	_ =	strace s2  }
0x95: {  	s2 =	sld [smem:$0x3FFD];
	_ =	sdelay $0x3  }
0x96: {  	_ =	strace s2  }
0x97: {  	_ =	strace $0x8FFFFFFF  }
0x98: {  	s18 =	sld [smem:$0x3FDB];
	_ =	sdelay $0x1  }
0x99: {  	s19 =	simm.s32 $_scs_section_size  }
0x9a: {  	s4 =	simm.s32 $_size__tile_overlayer_lowered;
	s5 =	simm.s32 $_tile_overlayer_lowered  }
0x9b: {  	s22 =	simm.s32 $0x1BFF;
	s21 =	sshll.u32 s5, $0x1;
	s2 =	sadd.s32 s19, s18  }
0x9c: {  	s6 =	simm.s32 $0x0;
	s20 =	sshll.u32 s4, $0x1;
	s4 =	sadd.s32 s21, s2  }
0x9d: {  	[timem:s6], [sflag:s22] =	dma.local [hbm:s4], s20  }
0x9e: {  	_ =	swait.ge [sflag:s22], s20  }
0x9f: {  	s3 =	ssub.s32 $0x0, s20;
	[sflag:s22] =	ssyncset.done $0x0  }
0xa0: {  	[sflag:s22] =	ssyncadd.s32 s3;
	_ =	sdelay $0x1  }
0xa1: {  	s23 =	simm.s32 $0x1B8B  }
0xa2: {  	_ =	swait.ge [sflag:s23], $0x1  }
0xa3: {  	[sflag:s23] =	ssyncset.done $0x0  }
0xa4: {  	s25 =	simm.s32 $0x1B8E;
	s24 =	sld [smem:$0x3FFE];
	[sflag:s23] =	ssyncadd.s32 $0xFFFFFFFF  }
0xa5: {  	s26 =	simm.s32 $execute0_lowered;
	[smem:$0x3FD2] =	sst s25  }
0xa6: {  	s4 =	sshll.u32 s26, $0x1;
	_ =	strace $0x80000046;
	[dreg:$0x1] =	wrdreg $0xFFFFFFFF  }
0xa7: {  	s28 =	simm.s32 $_size_execute0_lowered;
	s2 =	sadd.s32 s2, s4;
	[dreg:$0x0] =	wrdreg $0x0  }
0xa8: {  	s4 =	sshll.u32 s28, $0x1;
	[dreg:$0x2] =	wrdreg s2  }
0xa9: {  	[dreg:$0x3] =	wrdreg s4  }
0xaa: {  	[dreg:$0x4] =	wrdreg $0xC0  }
0xab: {  	_ =	task [dreg:s6], $0x5FFFF  }
0xac: {  	[dreg:$0x1] =	wrdreg $0xFFFFFFFF  }
0xad: {  	[dreg:$0x0] =	wrdreg $0x60  }
0xae: {  	[dreg:$0x2] =	wrdreg s24  }
0xaf: {  	[dreg:$0x3] =	wrdreg $0x9  }
0xb0: {  	_ =	task.clear_ibuf [dreg:s6], $0x4FFFF;
	_ =	strace $0x90000046  }
0xb1: {  	s29 =	simm.s32 $0x9;
	_ =	strace $0x80000048  }
0xb2: {  	_ =	swait.ge [sflag:s29], $0x1  }
0xb3: {  	[sflag:s29] =	ssyncadd.s32 $0xFFFFFFFF  }
0xb4: {  	_ =	strace $0x90000048  }
0xb5: {  	_ =	sfence  }
0xb6: {  	s30 =	sld [smem:$0x0];
	_ =	sdelay $0x2  }
0xb7: {  	s31 =	sshll.u32 s1, $0xD;
	s1 =	sshrl.u32 s1, $0x2  }
0xb8: {  	s3 =	sand.u32 $0x4000, s31;
	s1 =	sadd.s32 s1, s30  }
0xb9: {  	s0 =	sor.u32 s3, s0;
	s1 =	sshll.u32 s1, $0x11  }
0xba: {  	s0 =	sor.u32 s1, s0  }
0xbb: {  	s0 =	sadd.s32 $0x8F2B, s0  }
0xbc: {  	[sflag:s0] =	ssyncadd.remote.s32 $0x1  }
0xbd: {  	_ =	sfence.sel $0xFFFF  }
0xbe: {  	[dreg:$0x0] =	wrdreg $0xFFFFFFFF;
	(pc) =	sbr.abs _section_cstart, $3  }
0xbf: {  	[dreg:$0x1] =	wrdreg $0xFFFFFFFF  }
0xc0: {  	_ =	task.clear_ibuf [dreg:s6], $0x2FFFF;
	_ =	strace $0x9FFFFFFF  }
0xc1: {  	(tm) =	ssettm $0x7FFFFFFF  }
tec
execute0_lowered:
.L_overlay_start_1:
0x0: {  	(tag) =	ssettag $0x1  }
0x1: {  	s0 =	srdreg.scid  }
0x2: {  	s4 =	rddreg [dreg:$0x0];
	s2 =	simm.s32 $0x0;
	s3 =	sand.u32 $0x1, s0  }
0x3: {  	s8 =	simm.s32 $0x80;
	s0 =	stileid.u32;
	s1 =	sshll.u32 s3, $0x4  }
0x4: {  	s9 =	simm.s32 $0x400;
	s10 =	simm.s32 $0x0;
	s5 =	sor.u32 s0, s1  }
0x5: {  	[smem:$0x7FF] =	sst s2;
	s7 =	sshll.u32 s0, $0x7;
	s6 =	sshrl.u32 s5, $0x3  }
0x6: {  	s3 =	ssub.s32 $0x2, s3;
	s1 =	rddreg [dreg:$0x1];
	s6 =	smul.u32 $0x14000, s6  }
0x7: {  	s7 =	sand.u32 $0x380, s7;
	s30 =	sshrl.u32 s3, $0x1;
	s5 =	smul.u32 $0x2710, s5  }
0x8: {  	_ =	strace $0x80000047;
	s31 =	ssub.s32 s3, s30;
	s6 =	sor.u32 s7, s6  }
0x9: {  	s5 =	sshrl.u32 s5, $0x3;
	s7 =	simm.s32 $0x1;
	s6 =	sshrl.u32 s6, $0x3  }
0xa: {  	s6 =	sadd.s32 s6, s4;
	s4 =	sadd.s32 s4, s5;
	s5 =	smax.u32 s31, $0x1  }
0xb: {  	v0 =	vimm.f32 $0.0e+00;
	s3 =	sadd.s32 $0xE640, s4;
	s4 =	sadd.s32 $0x18400, s6;
	s6 =	simm.s32 $0x2800  }
.LBB2_1:
0xc: {  	s11 =	simm.s32 $0x20  }
0xd: {  	[tilespmem:s11+$0xFFFFFFE0] =	vst v0  }
0xe: {  	[tilespmem:s11+$0x10] =	vst v0  }
0xf: {  	s12 =	simm.s32 $0x0;
	[tilespmem:s11+$0x0] =	vst v0  }
.LBB2_2:
0x10: {  	s12 =	sadd.s32 $0x4, s12  }
0x11: {  	[tilespmem:s11+$0xFFFFFFF0] =	vst v0;
	s11 =	sadd.s32 $0x40, s11;
	p0 =	slt.u32 s12, $0x27C  }
.Ltmp0:
0x12: {  	[tilespmem:s11+$0xFFFFFFE0] =	vst v0;
	(pc) =	sbr.rel @p0 .LBB2_2-.Ltmp0, $3  }
0x13: {  	_ =	sdelay $0x1  }
0x14: {  	[tilespmem:s11+$0x10] =	vst v0  }
0x15: {  	[tilespmem:s11+$0x0] =	vst v0  }
0x16: {  	[tilespmem:s11+$0xFFFFFFF0] =	vst v0  }
0x17: {  	[tilespmem:s6], [sflag:$0x1] =	stream.linear.gather [hbm4b:s3+s2], $0x2710, $0x38;
	[tilespmem:$0x4F80] =	vst v63  }
0x18: {  	_ =	swait.ge [sflag:s7], $0x2710  }
0x19: {  	[sflag:s7] =	ssyncset.done $0x0  }
0x1a: {  	s11 =	simm.s32 $0xFFFFFFFC;
	s12 =	simm.s32 $0x2820;
	[sflag:s7] =	ssyncadd.s32 $0xFFFFD8F0  }
.LBB2_4:
0x1b: {  	v1 =	vld [tilespmem:s12+$0xFFFFFFE0];
	_ =	sdelay $0x4  }
0x1c: {  	(xrf1) =	vunique.msk.u32 $0xffff, v1;
	_ =	sdelay $0xd  }
0x1d: {  	_, v2, vm0 =	vpop (xrf1);
	_ =	sdelay $0x3  }
0x1e: {  	v2 =	vcvt.s32.f32 v2;
	_ =	sdelay $0x1  }
0x1f: {  	[tilespmem:v1+s2+$0x0] =	vst.idx.add.f32.msk vm0, v2  }
0x20: {  	v1 =	vld [tilespmem:s12+$0xFFFFFFF0];
	_ =	sdelay $0x4  }
0x21: {  	(xrf1) =	vunique.msk.u32 $0xffff, v1;
	_ =	sdelay $0xd  }
0x22: {  	_, v2, vm0 =	vpop (xrf1);
	_ =	sdelay $0x3  }
0x23: {  	v2 =	vcvt.s32.f32 v2;
	_ =	sdelay $0x1  }
0x24: {  	[tilespmem:v1+s2+$0x0] =	vst.idx.add.f32.msk vm0, v2  }
0x25: {  	v1 =	vld [tilespmem:s12+$0x0];
	_ =	sdelay $0x4  }
0x26: {  	(xrf1) =	vunique.msk.u32 $0xffff, v1;
	_ =	sdelay $0xd  }
0x27: {  	_, v2, vm0 =	vpop (xrf1);
	_ =	sdelay $0x3  }
0x28: {  	v2 =	vcvt.s32.f32 v2;
	_ =	sdelay $0x1  }
0x29: {  	[tilespmem:v1+s2+$0x0] =	vst.idx.add.f32.msk vm0, v2  }
0x2a: {  	v1 =	vld [tilespmem:s12+$0x10];
	_ =	sdelay $0x4  }
0x2b: {  	(xrf1) =	vunique.msk.u32 $0xffff, v1;
	_ =	sdelay $0xd  }
0x2c: {  	s11 =	sadd.s32 $0x4, s11;
	_, v2, vm0 =	vpop (xrf1)  }
0x2d: {  	p0 =	slt.u32 s11, $0x26C  }
.Ltmp1:
0x2e: {  	_ = 	snop;
	(pc) =	sbr.rel @p0 .LBB2_4-.Ltmp1, $3  }
0x2f: {  	_ = 	snop  }
0x30: {  	v2 =	vcvt.s32.f32 v2;
	_ =	sdelay $0x1  }
0x31: {  	s12 =	sadd.s32 $0x40, s12;
	[tilespmem:v1+s2+$0x0] =	vst.idx.add.f32.msk vm0, v2  }
0x32: {  	v1 =	vld [tilespmem:$0x4F00];
	_ =	sdelay $0x4  }
0x33: {  	(xrf1) =	vunique.msk.u32 $0xffff, v1;
	_ =	sdelay $0xd  }
0x34: {  	_, v2, vm0 =	vpop (xrf1);
	_ =	sdelay $0x3  }
0x35: {  	s10 =	sadd.s32 $0x1, s10;
	v2 =	vcvt.s32.f32 v2  }
0x36: {  	p0 =	sne.s32 s10, s5  }
.Ltmp2:
0x37: {  	[tilespmem:v1+s2+$0x0] =	vst.idx.add.f32.msk vm0, v2;
	(pc) =	sbr.rel @p0 .LBB2_1-.Ltmp2, $4  }
0x38: {  	[hbm4b:s4+s8] =	stream.strided.scatter [tilespmem:s2], [sflag:$0x1], $0x2800, s9, s8, $0x38;
	[tilespmem:$0x4F80] =	vst v63  }
0x39: {  	_ =	swait.ge [sflag:s7], $0x2800  }
0x3a: {  	[sflag:s7] =	ssyncset.done $0x0  }
0x3b: {  	[sflag:s7] =	ssyncadd.s32 $0xFFFFD800  }
0x3c: {  	_ =	sfence.sel $0x180000  }
0x3d: {  	[bflag:$0x0] =	sbarrier.arrive $0xFFFF  }
0x3e: {  	p0 =	sne.s32 s0, $0x0;
	_ =	strace $0x90000047  }
0x3f: {  	s0 =	sadd.s32 @!p0 $0x100000, s1;
	[bflag:$0x2] =	sbarrier.arrive $0xFFFF  }
0x40: {  	[sflag:s0] =	ssyncadd.tile.s32 @!p0 $0x1;
	_ =	shalt  }
.Lfunc_end2:
_tile_overlayer_lowered:
.L_overlay_start_2:
0x41: {  	(tag) =	ssettag $0x2  }
0x42: {  	s0 =	rddreg [dreg:$0x0];
	s2 =	stileid.u32  }
0x43: {  	s1 =	rddreg [dreg:$0x1];
	p0 =	sne.s32 s2, $0x0  }
0x44: {  	s3 =	rddreg [dreg:$0x2];
	[bflag:$0x3] =	sbarrier.arrive $0xFFFF;
	s2 =	simm.s32 @!p0 $0x1C01  }
0x45: {  	[timem:s3], [sflag:s2] =	dma.local @!p0 [hbm:s0], s1  }
0x46: {  	s0 =	simm.s32 @!p0 $0x1  }
0x47: {  	_ =	swait.ge @!p0 [sflag:s0], s1  }
0x48: {  	s1 =	ssub.s32 @!p0 $0x0, s1;
	[sflag:s0] =	ssyncset.done @!p0 $0x0  }
0x49: {  	[sflag:s0] =	ssyncadd.s32 @!p0 s1  }
0x4a: {  	[bflag:$0x3] =	sbarrier.arrive $0xFFFF  }
0x4b: {  	_ =	shalt  }

</sc_bundles>
